<compile_context>
chip_gen: v7x
topology: tpu7x:2x2x1
jax: 0.10.2.dev20260603
libtpu: 0.0.44.dev20260713+nightly
codegen_flags: <defaults>
</compile_context>

<pallas_src>
import functools

import jax
import jax.numpy as jnp
from jax import lax
from jax.experimental import pallas as pl
from jax.experimental.pallas import tpu as pltpu
from jax.experimental.pallas import tpu_sc as plsc

N_IDX = 100000
D = 128
C = 128
G = 3
NW = 32
GC = G * C
P_FULL = N_IDX // GC
R_LAST = N_IDX - P_FULL * GC
C_TAIL = R_LAST - C
N_SLOTS = 10
GRID = N_SLOTS * NW * GC

_mesh = plsc.VectorSubcoreMesh(core_axis_name="c", subcore_axis_name="s")


@functools.partial(
    pl.kernel,
    mesh=_mesh,
    out_type=jax.ShapeDtypeStruct((N_IDX, D), jnp.float32),
    scratch_types=[
        pltpu.VMEM((G * N_SLOTS, C), jnp.int32),
        pltpu.VMEM((GC, D), jnp.float32),
        pltpu.VMEM((GC, D), jnp.float32),
        pltpu.SemaphoreType.DMA,
        pltpu.SemaphoreType.DMA,
    ],
)
def _sc_gather(x_hbm, idx3_hbm, out_hbm, idx_v, rows_a, rows_b, gsem, osem):
    w = lax.axis_index("s") * 2 + lax.axis_index("c")
    rows = (rows_a, rows_b)

    pltpu.sync_copy(idx3_hbm.at[w], idx_v)

    def drain_out(n_rows):
        pltpu.make_async_copy(rows_a.at[pl.ds(0, n_rows)],
                              out_hbm.at[pl.ds(0, n_rows)], osem).wait()

    def slot(j, h):
        p = 2 * h + j
        q = p * NW + w
        buf = rows[j % 2]

        @pl.when((q >= 2 * NW) & (q - 2 * NW < P_FULL))
        def _():
            drain_out(GC)

        @pl.when(q - 2 * NW == P_FULL)
        def _():
            drain_out(R_LAST)

        @pl.when(q < P_FULL)
        def _():
            gds = [pltpu.async_copy(x_hbm.at[idx_v.at[G * p + r]],
                                    buf.at[pl.ds(r * C, C)], gsem)
                   for r in range(G)]
            for gd in gds:
                gd.wait()
            pltpu.async_copy(buf, out_hbm.at[pl.ds(q * GC, GC)], osem)

        @pl.when(q == P_FULL)
        def _():
            g0 = pltpu.async_copy(x_hbm.at[idx_v.at[G * p]],
                                  buf.at[pl.ds(0, C)], gsem)
            g1 = pltpu.async_copy(x_hbm.at[idx_v.at[G * p + 1, pl.ds(0, C_TAIL)]],
                                  buf.at[pl.ds(C, C_TAIL)], gsem)
            g0.wait()
            g1.wait()
            pltpu.async_copy(buf.at[pl.ds(0, R_LAST)],
                             out_hbm.at[pl.ds(q * GC, R_LAST)], osem)

    def body(h, carry):
        slot(0, h)
        slot(1, h)
        return carry

    lax.fori_loop(0, N_SLOTS // 2, body, 0)

    for p_last in (N_SLOTS - 2, N_SLOTS - 1):
        q_last = p_last * NW + w

        @pl.when(q_last < P_FULL)
        def _():
            drain_out(GC)

        @pl.when(q_last == P_FULL)
        def _():
            drain_out(R_LAST)


def kernel(x, idx):
    idx32 = idx.astype(jnp.int32)
    idx3 = (jnp.zeros((GRID,), jnp.int32).at[:N_IDX].set(idx32)
            .reshape(N_SLOTS, NW, GC).transpose(1, 0, 2)
            .reshape(NW, G * N_SLOTS, C))
    return _sc_gather(x, idx3)

# --- scband reference (transcript-rebuilt; emitter-appended) ---
"""Pipeline reference for scband-index-unpool-49263274885765 (READ-ONLY COPY).

The authoritative reference and input builder live on the scoring server;
editing this copy changes nothing except your own understanding.
"""

import jax, jax.numpy as jnp
import numpy as np


def setup_inputs(seed: int = 0) -> dict:
    key = jax.random.key(seed)
    k1, k2 = jax.random.split(key)
    x = jax.random.normal(k1, (50000, 128), dtype=jnp.float32)
    idx = jax.random.randint(k2, (100000,), 0, 50000, dtype=jnp.int64)
    return {"x": x, "idx": idx}


def reference(x, idx):
    # torch: x.index_select(0, idx)  ->  jax gather along axis 0
    return jnp.take(x, idx, axis=0)

if __name__ == "__main__":
    import jax
    _d = setup_inputs()
    print(jax.jit(kernel)(*tuple(_d.values())))

</pallas_src>

<mosaic_0001>
#map = affine_map<(d0, d1) -> (0, 0)>
#map1 = affine_map<(d0, d1) -> (0, 0, 0)>
module attributes {stable_mosaic.version = 14 : i64} {
  func.func @_sc_gather(%arg0: i32, %arg1: i32, %arg2: memref<50000x128xf32, #tpu.memory_space<hbm>>, %arg3: memref<32x30x128xi32, #tpu.memory_space<hbm>>, %arg4: memref<100000x128xf32, #tpu.memory_space<hbm>>, %arg5: memref<30x128xi32, #tpu.memory_space<vmem>>, %arg6: memref<384x128xf32, #tpu.memory_space<vmem>>, %arg7: memref<384x128xf32, #tpu.memory_space<vmem>>, %arg8: memref<!tpu.dma_semaphore, #tpu.memory_space<semaphore_mem>>, %arg9: memref<!tpu.dma_semaphore, #tpu.memory_space<semaphore_mem>>) attributes {dimension_semantics = [#tpu.dimension_semantics<core_parallel>, #tpu.dimension_semantics<subcore_parallel>], iteration_bounds = array<i64: 2, 16>, scalar_prefetch = 0 : i64, scratch_operands = 5 : i64, tpu.core_type = #tpu.core_type<sc_vector_subcore>, window_params = [{transform_indices = #map}, {transform_indices = #map1}, {transform_indices = #map}]} {
    %mul3A = arith.constant 2 : i32
    %mul3A_0 = arith.muli %arg1, %mul3A : i32
    %add3A = arith.addi %mul3A_0, %arg0 : i32
    "tpu.region"() ({
      %run_scoped3A = tpu.sem_alloc : memref<!tpu.dma_semaphore, #tpu.memory_space<semaphore_mem>>
      %dma_start3A = arith.constant 0 : i32
      %dma_start3A_26 = arith.constant 0 : i32
      %dma_start3A_27 = tpu.memref_slice %arg3[%add3A, %dma_start3A, %dma_start3A_26] : memref<32x30x128xi32, #tpu.memory_space<hbm>> -> memref<1x30x128xi32, #tpu.memory_space<hbm>>
      %dma_start3A_28 = tpu.memref_squeeze %dma_start3A_27 : memref<1x30x128xi32, #tpu.memory_space<hbm>> -> memref<30x128xi32, #tpu.memory_space<hbm>>
      %dma_start3A_29 = arith.constant 0 : i32
      %dma_start3A_30 = arith.constant 0 : i32
      %dma_start3A_31 = tpu.memref_slice %arg3[%add3A, %dma_start3A_29, %dma_start3A_30] : memref<32x30x128xi32, #tpu.memory_space<hbm>> -> memref<1x30x128xi32, #tpu.memory_space<hbm>>
      %dma_start3A_32 = tpu.memref_squeeze %dma_start3A_31 : memref<1x30x128xi32, #tpu.memory_space<hbm>> -> memref<30x128xi32, #tpu.memory_space<hbm>>
      tpu.enqueue_dma source(%dma_start3A_32 : memref<30x128xi32, #tpu.memory_space<hbm>>) target(%arg5 : memref<30x128xi32, #tpu.memory_space<vmem>>) target_semaphore(%run_scoped3A : memref<!tpu.dma_semaphore, #tpu.memory_space<semaphore_mem>>)
      %dma_wait3A = arith.constant 0 : i32
      %dma_wait3A_33 = arith.constant 0 : i32
      %dma_wait3A_34 = tpu.memref_slice %arg3[%add3A, %dma_wait3A, %dma_wait3A_33] : memref<32x30x128xi32, #tpu.memory_space<hbm>> -> memref<1x30x128xi32, #tpu.memory_space<hbm>>
      %dma_wait3A_35 = tpu.memref_squeeze %dma_wait3A_34 : memref<1x30x128xi32, #tpu.memory_space<hbm>> -> memref<30x128xi32, #tpu.memory_space<hbm>>
      %dma_wait3A_36 = arith.constant 0 : i32
      %dma_wait3A_37 = arith.constant 0 : i32
      %dma_wait3A_38 = tpu.memref_slice %arg3[%add3A, %dma_wait3A_36, %dma_wait3A_37] : memref<32x30x128xi32, #tpu.memory_space<hbm>> -> memref<1x30x128xi32, #tpu.memory_space<hbm>>
      %dma_wait3A_39 = tpu.memref_squeeze %dma_wait3A_38 : memref<1x30x128xi32, #tpu.memory_space<hbm>> -> memref<30x128xi32, #tpu.memory_space<hbm>>
      tpu.wait_dma2 semaphore(%run_scoped3A : memref<!tpu.dma_semaphore, #tpu.memory_space<semaphore_mem>>) src(%dma_wait3A_39 : memref<30x128xi32, #tpu.memory_space<hbm>>) dst(%arg5 : memref<30x128xi32, #tpu.memory_space<vmem>>)
      tpu.yield
    }) : () -> ()
    %scan3A = arith.constant 0 : i32
    %scan3A_1 = arith.constant 0 : i32
    %scan3A_2 = arith.constant 5 : i32
    %scan3A_3 = arith.addi %scan3A_1, %scan3A_2 : i32
    %scan3A_4 = arith.constant 1 : i32
    scf.for %scan3A_26 = %scan3A_1 to %scan3A_3 step %scan3A_4  : i32 {
      %mul3A_27 = arith.constant 2 : i32
      %mul3A_28 = arith.muli %mul3A_27, %scan3A_26 : i32
      %add3A_29 = arith.constant 0 : i32
      %add3A_30 = arith.addi %mul3A_28, %add3A_29 : i32
      %mul3A_31 = arith.constant 32 : i32
      %mul3A_32 = arith.muli %add3A_30, %mul3A_31 : i32
      %add3A_33 = arith.addi %mul3A_32, %add3A : i32
      %ge3A = arith.constant 64 : i32
      %ge3A_34 = arith.cmpi sge, %add3A_33, %ge3A : i32
      %sub3A = arith.constant 64 : i32
      %sub3A_35 = arith.subi %add3A_33, %sub3A : i32
      %lt3A_36 = arith.constant 260 : i32
      %lt3A_37 = arith.cmpi slt, %sub3A_35, %lt3A_36 : i32
      %and3A = arith.andi %ge3A_34, %lt3A_37 : i1
      %convert_element_type3A_38 = arith.extui %and3A : i1 to i32
      %cond3A_39 = arith.constant 0 : i32
      %cond3A_40 = arith.cmpi ne, %convert_element_type3A_38, %cond3A_39 : i32
      scf.if %cond3A_40 {
        %dma_wait3A = arith.constant 0 : i32
        %dma_wait3A_92 = arith.constant 0 : i32
        %dma_wait3A_93 = tpu.memref_slice %arg6[%dma_wait3A, %dma_wait3A_92] : memref<384x128xf32, #tpu.memory_space<vmem>> -> memref<384x128xf32, #tpu.memory_space<vmem>>
        %dma_wait3A_94 = arith.constant 0 : i32
        %dma_wait3A_95 = arith.constant 0 : i32
        %dma_wait3A_96 = tpu.memref_slice %arg4[%dma_wait3A_94, %dma_wait3A_95] : memref<100000x128xf32, #tpu.memory_space<hbm>> -> memref<384x128xf32, #tpu.memory_space<hbm>>
        %dma_wait3A_97 = arith.constant 0 : i32
        %dma_wait3A_98 = arith.constant 0 : i32
        %dma_wait3A_99 = tpu.memref_slice %arg4[%dma_wait3A_97, %dma_wait3A_98] : memref<100000x128xf32, #tpu.memory_space<hbm>> -> memref<384x128xf32, #tpu.memory_space<hbm>>
        %dma_wait3A_100 = arith.constant 0 : i32
        %dma_wait3A_101 = arith.constant 0 : i32
        %dma_wait3A_102 = tpu.memref_slice %arg6[%dma_wait3A_100, %dma_wait3A_101] : memref<384x128xf32, #tpu.memory_space<vmem>> -> memref<384x128xf32, #tpu.memory_space<vmem>>
        tpu.wait_dma2 semaphore(%arg9 : memref<!tpu.dma_semaphore, #tpu.memory_space<semaphore_mem>>) src(%dma_wait3A_102 : memref<384x128xf32, #tpu.memory_space<vmem>>) dst(%dma_wait3A_99 : memref<384x128xf32, #tpu.memory_space<hbm>>)
      } else {
      }
      %sub3A_41 = arith.constant 64 : i32
      %sub3A_42 = arith.subi %add3A_33, %sub3A_41 : i32
      %eq3A_43 = arith.constant 260 : i32
      %eq3A_44 = arith.cmpi eq, %sub3A_42, %eq3A_43 : i32
      %convert_element_type3A_45 = arith.extui %eq3A_44 : i1 to i32
      %cond3A_46 = arith.constant 0 : i32
      %cond3A_47 = arith.cmpi ne, %convert_element_type3A_45, %cond3A_46 : i32
      scf.if %cond3A_47 {
        %dma_wait3A = arith.constant 0 : i32
        %dma_wait3A_92 = arith.constant 0 : i32
        %dma_wait3A_93 = tpu.memref_slice %arg6[%dma_wait3A, %dma_wait3A_92] : memref<384x128xf32, #tpu.memory_space<vmem>> -> memref<160x128xf32, #tpu.memory_space<vmem>>
        %dma_wait3A_94 = arith.constant 0 : i32
        %dma_wait3A_95 = arith.constant 0 : i32
        %dma_wait3A_96 = tpu.memref_slice %arg4[%dma_wait3A_94, %dma_wait3A_95] : memref<100000x128xf32, #tpu.memory_space<hbm>> -> memref<160x128xf32, #tpu.memory_space<hbm>>
        %dma_wait3A_97 = arith.constant 0 : i32
        %dma_wait3A_98 = arith.constant 0 : i32
        %dma_wait3A_99 = tpu.memref_slice %arg4[%dma_wait3A_97, %dma_wait3A_98] : memref<100000x128xf32, #tpu.memory_space<hbm>> -> memref<160x128xf32, #tpu.memory_space<hbm>>
        %dma_wait3A_100 = arith.constant 0 : i32
        %dma_wait3A_101 = arith.constant 0 : i32
        %dma_wait3A_102 = tpu.memref_slice %arg6[%dma_wait3A_100, %dma_wait3A_101] : memref<384x128xf32, #tpu.memory_space<vmem>> -> memref<160x128xf32, #tpu.memory_space<vmem>>
        tpu.wait_dma2 semaphore(%arg9 : memref<!tpu.dma_semaphore, #tpu.memory_space<semaphore_mem>>) src(%dma_wait3A_102 : memref<160x128xf32, #tpu.memory_space<vmem>>) dst(%dma_wait3A_99 : memref<160x128xf32, #tpu.memory_space<hbm>>)
      } else {
      }
      %lt3A_48 = arith.constant 260 : i32
      %lt3A_49 = arith.cmpi slt, %add3A_33, %lt3A_48 : i32
      %convert_element_type3A_50 = arith.extui %lt3A_49 : i1 to i32
      %cond3A_51 = arith.constant 0 : i32
      %cond3A_52 = arith.cmpi ne, %convert_element_type3A_50, %cond3A_51 : i32
      scf.if %cond3A_52 {
        %mul3A_92 = arith.constant 3 : i32
        %mul3A_93 = arith.muli %mul3A_92, %add3A_30 : i32
        %add3A_94 = arith.constant 0 : i32
        %add3A_95 = arith.addi %mul3A_93, %add3A_94 : i32
        %dma_start3A = arith.constant 0 : i32
        %dma_start3A_96 = arith.constant 0 : i32
        %dma_start3A_97 = tpu.memref_slice %arg6[%dma_start3A, %dma_start3A_96] : memref<384x128xf32, #tpu.memory_space<vmem>> -> memref<128x128xf32, #tpu.memory_space<vmem>>
        %dma_start3A_98 = arith.constant 0 : i32
        %dma_start3A_99 = tpu.memref_slice %arg5[%add3A_95, %dma_start3A_98] : memref<30x128xi32, #tpu.memory_space<vmem>> -> memref<1x128xi32, #tpu.memory_space<vmem>>
        %dma_start3A_100 = tpu.memref_squeeze %dma_start3A_99 : memref<1x128xi32, #tpu.memory_space<vmem>> -> memref<128xi32, #tpu.memory_space<vmem>>
        %dma_start3A_101 = arith.constant 0 : i32
        %dma_start3A_102 = arith.constant 0 : i32
        %dma_start3A_103 = tpu.memref_slice %arg2[%dma_start3A_101, %dma_start3A_102] : memref<50000x128xf32, #tpu.memory_space<hbm>> -> memref<50000x128xf32, #tpu.memory_space<hbm>>
        tpu.enqueue_indirect_dma source(%dma_start3A_103 : memref<50000x128xf32, #tpu.memory_space<hbm>>) target(%dma_start3A_97 : memref<128x128xf32, #tpu.memory_space<vmem>>) offsets(%dma_start3A_100 : memref<128xi32, #tpu.memory_space<vmem>>) semaphore(%arg8 : memref<!tpu.dma_semaphore, #tpu.memory_space<semaphore_mem>>)
        %mul3A_104 = arith.constant 3 : i32
        %mul3A_105 = arith.muli %mul3A_104, %add3A_30 : i32
        %add3A_106 = arith.constant 1 : i32
        %add3A_107 = arith.addi %mul3A_105, %add3A_106 : i32
        %dma_start3A_108 = arith.constant 128 : i32
        %dma_start3A_109 = arith.constant 0 : i32
        %dma_start3A_110 = tpu.memref_slice %arg6[%dma_start3A_108, %dma_start3A_109] : memref<384x128xf32, #tpu.memory_space<vmem>> -> memref<128x128xf32, #tpu.memory_space<vmem>>
        %dma_start3A_111 = arith.constant 0 : i32
        %dma_start3A_112 = tpu.memref_slice %arg5[%add3A_107, %dma_start3A_111] : memref<30x128xi32, #tpu.memory_space<vmem>> -> memref<1x128xi32, #tpu.memory_space<vmem>>
        %dma_start3A_113 = tpu.memref_squeeze %dma_start3A_112 : memref<1x128xi32, #tpu.memory_space<vmem>> -> memref<128xi32, #tpu.memory_space<vmem>>
        %dma_start3A_114 = arith.constant 0 : i32
        %dma_start3A_115 = arith.constant 0 : i32
        %dma_start3A_116 = tpu.memref_slice %arg2[%dma_start3A_114, %dma_start3A_115] : memref<50000x128xf32, #tpu.memory_space<hbm>> -> memref<50000x128xf32, #tpu.memory_space<hbm>>
        tpu.enqueue_indirect_dma source(%dma_start3A_116 : memref<50000x128xf32, #tpu.memory_space<hbm>>) target(%dma_start3A_110 : memref<128x128xf32, #tpu.memory_space<vmem>>) offsets(%dma_start3A_113 : memref<128xi32, #tpu.memory_space<vmem>>) semaphore(%arg8 : memref<!tpu.dma_semaphore, #tpu.memory_space<semaphore_mem>>)
        %mul3A_117 = arith.constant 3 : i32
        %mul3A_118 = arith.muli %mul3A_117, %add3A_30 : i32
        %add3A_119 = arith.constant 2 : i32
        %add3A_120 = arith.addi %mul3A_118, %add3A_119 : i32
        %dma_start3A_121 = arith.constant 256 : i32
        %dma_start3A_122 = arith.constant 0 : i32
        %dma_start3A_123 = tpu.memref_slice %arg6[%dma_start3A_121, %dma_start3A_122] : memref<384x128xf32, #tpu.memory_space<vmem>> -> memref<128x128xf32, #tpu.memory_space<vmem>>
        %dma_start3A_124 = arith.constant 0 : i32
        %dma_start3A_125 = tpu.memref_slice %arg5[%add3A_120, %dma_start3A_124] : memref<30x128xi32, #tpu.memory_space<vmem>> -> memref<1x128xi32, #tpu.memory_space<vmem>>
        %dma_start3A_126 = tpu.memref_squeeze %dma_start3A_125 : memref<1x128xi32, #tpu.memory_space<vmem>> -> memref<128xi32, #tpu.memory_space<vmem>>
        %dma_start3A_127 = arith.constant 0 : i32
        %dma_start3A_128 = arith.constant 0 : i32
        %dma_start3A_129 = tpu.memref_slice %arg2[%dma_start3A_127, %dma_start3A_128] : memref<50000x128xf32, #tpu.memory_space<hbm>> -> memref<50000x128xf32, #tpu.memory_space<hbm>>
        tpu.enqueue_indirect_dma source(%dma_start3A_129 : memref<50000x128xf32, #tpu.memory_space<hbm>>) target(%dma_start3A_123 : memref<128x128xf32, #tpu.memory_space<vmem>>) offsets(%dma_start3A_126 : memref<128xi32, #tpu.memory_space<vmem>>) semaphore(%arg8 : memref<!tpu.dma_semaphore, #tpu.memory_space<semaphore_mem>>)
        %dma_wait3A = arith.constant 0 : i32
        %dma_wait3A_130 = arith.constant 0 : i32
        %dma_wait3A_131 = tpu.memref_slice %arg6[%dma_wait3A, %dma_wait3A_130] : memref<384x128xf32, #tpu.memory_space<vmem>> -> memref<128x128xf32, #tpu.memory_space<vmem>>
        %dma_wait3A_132 = arith.constant 0 : i32
        %dma_wait3A_133 = tpu.memref_slice %arg5[%add3A_95, %dma_wait3A_132] : memref<30x128xi32, #tpu.memory_space<vmem>> -> memref<1x128xi32, #tpu.memory_space<vmem>>
        %dma_wait3A_134 = tpu.memref_squeeze %dma_wait3A_133 : memref<1x128xi32, #tpu.memory_space<vmem>> -> memref<128xi32, #tpu.memory_space<vmem>>
        %dma_wait3A_135 = arith.constant 0 : i32
        %dma_wait3A_136 = arith.constant 0 : i32
        %dma_wait3A_137 = tpu.memref_slice %arg2[%dma_wait3A_135, %dma_wait3A_136] : memref<50000x128xf32, #tpu.memory_space<hbm>> -> memref<50000x128xf32, #tpu.memory_space<hbm>>
        tpu.wait_indirect_dma semaphore(%arg8 : memref<!tpu.dma_semaphore, #tpu.memory_space<semaphore_mem>>) src(%dma_wait3A_137 : memref<50000x128xf32, #tpu.memory_space<hbm>>) dst(%dma_wait3A_131 : memref<128x128xf32, #tpu.memory_space<vmem>>)
        %dma_wait3A_138 = arith.constant 128 : i32
        %dma_wait3A_139 = arith.constant 0 : i32
        %dma_wait3A_140 = tpu.memref_slice %arg6[%dma_wait3A_138, %dma_wait3A_139] : memref<384x128xf32, #tpu.memory_space<vmem>> -> memref<128x128xf32, #tpu.memory_space<vmem>>
        %dma_wait3A_141 = arith.constant 0 : i32
        %dma_wait3A_142 = tpu.memref_slice %arg5[%add3A_107, %dma_wait3A_141] : memref<30x128xi32, #tpu.memory_space<vmem>> -> memref<1x128xi32, #tpu.memory_space<vmem>>
        %dma_wait3A_143 = tpu.memref_squeeze %dma_wait3A_142 : memref<1x128xi32, #tpu.memory_space<vmem>> -> memref<128xi32, #tpu.memory_space<vmem>>
        %dma_wait3A_144 = arith.constant 0 : i32
        %dma_wait3A_145 = arith.constant 0 : i32
        %dma_wait3A_146 = tpu.memref_slice %arg2[%dma_wait3A_144, %dma_wait3A_145] : memref<50000x128xf32, #tpu.memory_space<hbm>> -> memref<50000x128xf32, #tpu.memory_space<hbm>>
        tpu.wait_indirect_dma semaphore(%arg8 : memref<!tpu.dma_semaphore, #tpu.memory_space<semaphore_mem>>) src(%dma_wait3A_146 : memref<50000x128xf32, #tpu.memory_space<hbm>>) dst(%dma_wait3A_140 : memref<128x128xf32, #tpu.memory_space<vmem>>)
        %dma_wait3A_147 = arith.constant 256 : i32
        %dma_wait3A_148 = arith.constant 0 : i32
        %dma_wait3A_149 = tpu.memref_slice %arg6[%dma_wait3A_147, %dma_wait3A_148] : memref<384x128xf32, #tpu.memory_space<vmem>> -> memref<128x128xf32, #tpu.memory_space<vmem>>
        %dma_wait3A_150 = arith.constant 0 : i32
        %dma_wait3A_151 = tpu.memref_slice %arg5[%add3A_120, %dma_wait3A_150] : memref<30x128xi32, #tpu.memory_space<vmem>> -> memref<1x128xi32, #tpu.memory_space<vmem>>
        %dma_wait3A_152 = tpu.memref_squeeze %dma_wait3A_151 : memref<1x128xi32, #tpu.memory_space<vmem>> -> memref<128xi32, #tpu.memory_space<vmem>>
        %dma_wait3A_153 = arith.constant 0 : i32
        %dma_wait3A_154 = arith.constant 0 : i32
        %dma_wait3A_155 = tpu.memref_slice %arg2[%dma_wait3A_153, %dma_wait3A_154] : memref<50000x128xf32, #tpu.memory_space<hbm>> -> memref<50000x128xf32, #tpu.memory_space<hbm>>
        tpu.wait_indirect_dma semaphore(%arg8 : memref<!tpu.dma_semaphore, #tpu.memory_space<semaphore_mem>>) src(%dma_wait3A_155 : memref<50000x128xf32, #tpu.memory_space<hbm>>) dst(%dma_wait3A_149 : memref<128x128xf32, #tpu.memory_space<vmem>>)
        %mul3A_156 = arith.constant 384 : i32
        %mul3A_157 = arith.muli %add3A_33, %mul3A_156 : i32
        %dma_start3A_158 = arith.constant 0 : i32
        %dma_start3A_159 = tpu.memref_slice %arg4[%mul3A_157, %dma_start3A_158] : memref<100000x128xf32, #tpu.memory_space<hbm>> -> memref<384x128xf32, #tpu.memory_space<hbm>>
        %dma_start3A_160 = arith.constant 0 : i32
        %dma_start3A_161 = tpu.memref_slice %arg4[%mul3A_157, %dma_start3A_160] : memref<100000x128xf32, #tpu.memory_space<hbm>> -> memref<384x128xf32, #tpu.memory_space<hbm>>
        tpu.enqueue_dma source(%arg6 : memref<384x128xf32, #tpu.memory_space<vmem>>) target(%dma_start3A_161 : memref<384x128xf32, #tpu.memory_space<hbm>>) target_semaphore(%arg9 : memref<!tpu.dma_semaphore, #tpu.memory_space<semaphore_mem>>)
      } else {
      }
      %eq3A_53 = arith.constant 260 : i32
      %eq3A_54 = arith.cmpi eq, %add3A_33, %eq3A_53 : i32
      %convert_element_type3A_55 = arith.extui %eq3A_54 : i1 to i32
      %cond3A_56 = arith.constant 0 : i32
      %cond3A_57 = arith.cmpi ne, %convert_element_type3A_55, %cond3A_56 : i32
      scf.if %cond3A_57 {
        %mul3A_92 = arith.constant 3 : i32
        %mul3A_93 = arith.muli %mul3A_92, %add3A_30 : i32
        %dma_start3A = arith.constant 0 : i32
        %dma_start3A_94 = arith.constant 0 : i32
        %dma_start3A_95 = tpu.memref_slice %arg6[%dma_start3A, %dma_start3A_94] : memref<384x128xf32, #tpu.memory_space<vmem>> -> memref<128x128xf32, #tpu.memory_space<vmem>>
        %dma_start3A_96 = arith.constant 0 : i32
        %dma_start3A_97 = tpu.memref_slice %arg5[%mul3A_93, %dma_start3A_96] : memref<30x128xi32, #tpu.memory_space<vmem>> -> memref<1x128xi32, #tpu.memory_space<vmem>>
        %dma_start3A_98 = tpu.memref_squeeze %dma_start3A_97 : memref<1x128xi32, #tpu.memory_space<vmem>> -> memref<128xi32, #tpu.memory_space<vmem>>
        %dma_start3A_99 = arith.constant 0 : i32
        %dma_start3A_100 = arith.constant 0 : i32
        %dma_start3A_101 = tpu.memref_slice %arg2[%dma_start3A_99, %dma_start3A_100] : memref<50000x128xf32, #tpu.memory_space<hbm>> -> memref<50000x128xf32, #tpu.memory_space<hbm>>
        tpu.enqueue_indirect_dma source(%dma_start3A_101 : memref<50000x128xf32, #tpu.memory_space<hbm>>) target(%dma_start3A_95 : memref<128x128xf32, #tpu.memory_space<vmem>>) offsets(%dma_start3A_98 : memref<128xi32, #tpu.memory_space<vmem>>) semaphore(%arg8 : memref<!tpu.dma_semaphore, #tpu.memory_space<semaphore_mem>>)
        %mul3A_102 = arith.constant 3 : i32
        %mul3A_103 = arith.muli %mul3A_102, %add3A_30 : i32
        %add3A_104 = arith.constant 1 : i32
        %add3A_105 = arith.addi %mul3A_103, %add3A_104 : i32
        %dma_start3A_106 = arith.constant 128 : i32
        %dma_start3A_107 = arith.constant 0 : i32
        %dma_start3A_108 = tpu.memref_slice %arg6[%dma_start3A_106, %dma_start3A_107] : memref<384x128xf32, #tpu.memory_space<vmem>> -> memref<32x128xf32, #tpu.memory_space<vmem>>
        %dma_start3A_109 = arith.constant 0 : i32
        %dma_start3A_110 = tpu.memref_slice %arg5[%add3A_105, %dma_start3A_109] : memref<30x128xi32, #tpu.memory_space<vmem>> -> memref<1x32xi32, #tpu.memory_space<vmem>>
        %dma_start3A_111 = tpu.memref_squeeze %dma_start3A_110 : memref<1x32xi32, #tpu.memory_space<vmem>> -> memref<32xi32, #tpu.memory_space<vmem>>
        %dma_start3A_112 = arith.constant 0 : i32
        %dma_start3A_113 = arith.constant 0 : i32
        %dma_start3A_114 = tpu.memref_slice %arg2[%dma_start3A_112, %dma_start3A_113] : memref<50000x128xf32, #tpu.memory_space<hbm>> -> memref<50000x128xf32, #tpu.memory_space<hbm>>
        tpu.enqueue_indirect_dma source(%dma_start3A_114 : memref<50000x128xf32, #tpu.memory_space<hbm>>) target(%dma_start3A_108 : memref<32x128xf32, #tpu.memory_space<vmem>>) offsets(%dma_start3A_111 : memref<32xi32, #tpu.memory_space<vmem>>) semaphore(%arg8 : memref<!tpu.dma_semaphore, #tpu.memory_space<semaphore_mem>>)
        %dma_wait3A = arith.constant 0 : i32
        %dma_wait3A_115 = arith.constant 0 : i32
        %dma_wait3A_116 = tpu.memref_slice %arg6[%dma_wait3A, %dma_wait3A_115] : memref<384x128xf32, #tpu.memory_space<vmem>> -> memref<128x128xf32, #tpu.memory_space<vmem>>
        %dma_wait3A_117 = arith.constant 0 : i32
        %dma_wait3A_118 = tpu.memref_slice %arg5[%mul3A_93, %dma_wait3A_117] : memref<30x128xi32, #tpu.memory_space<vmem>> -> memref<1x128xi32, #tpu.memory_space<vmem>>
        %dma_wait3A_119 = tpu.memref_squeeze %dma_wait3A_118 : memref<1x128xi32, #tpu.memory_space<vmem>> -> memref<128xi32, #tpu.memory_space<vmem>>
        %dma_wait3A_120 = arith.constant 0 : i32
        %dma_wait3A_121 = arith.constant 0 : i32
        %dma_wait3A_122 = tpu.memref_slice %arg2[%dma_wait3A_120, %dma_wait3A_121] : memref<50000x128xf32, #tpu.memory_space<hbm>> -> memref<50000x128xf32, #tpu.memory_space<hbm>>
        tpu.wait_indirect_dma semaphore(%arg8 : memref<!tpu.dma_semaphore, #tpu.memory_space<semaphore_mem>>) src(%dma_wait3A_122 : memref<50000x128xf32, #tpu.memory_space<hbm>>) dst(%dma_wait3A_116 : memref<128x128xf32, #tpu.memory_space<vmem>>)
        %dma_wait3A_123 = arith.constant 128 : i32
        %dma_wait3A_124 = arith.constant 0 : i32
        %dma_wait3A_125 = tpu.memref_slice %arg6[%dma_wait3A_123, %dma_wait3A_124] : memref<384x128xf32, #tpu.memory_space<vmem>> -> memref<32x128xf32, #tpu.memory_space<vmem>>
        %dma_wait3A_126 = arith.constant 0 : i32
        %dma_wait3A_127 = tpu.memref_slice %arg5[%add3A_105, %dma_wait3A_126] : memref<30x128xi32, #tpu.memory_space<vmem>> -> memref<1x32xi32, #tpu.memory_space<vmem>>
        %dma_wait3A_128 = tpu.memref_squeeze %dma_wait3A_127 : memref<1x32xi32, #tpu.memory_space<vmem>> -> memref<32xi32, #tpu.memory_space<vmem>>
        %dma_wait3A_129 = arith.constant 0 : i32
        %dma_wait3A_130 = arith.constant 0 : i32
        %dma_wait3A_131 = tpu.memref_slice %arg2[%dma_wait3A_129, %dma_wait3A_130] : memref<50000x128xf32, #tpu.memory_space<hbm>> -> memref<50000x128xf32, #tpu.memory_space<hbm>>
        tpu.wait_indirect_dma semaphore(%arg8 : memref<!tpu.dma_semaphore, #tpu.memory_space<semaphore_mem>>) src(%dma_wait3A_131 : memref<50000x128xf32, #tpu.memory_space<hbm>>) dst(%dma_wait3A_125 : memref<32x128xf32, #tpu.memory_space<vmem>>)
        %mul3A_132 = arith.constant 384 : i32
        %mul3A_133 = arith.muli %add3A_33, %mul3A_132 : i32
        %dma_start3A_134 = arith.constant 0 : i32
        %dma_start3A_135 = arith.constant 0 : i32
        %dma_start3A_136 = tpu.memref_slice %arg6[%dma_start3A_134, %dma_start3A_135] : memref<384x128xf32, #tpu.memory_space<vmem>> -> memref<160x128xf32, #tpu.memory_space<vmem>>
        %dma_start3A_137 = arith.constant 0 : i32
        %dma_start3A_138 = tpu.memref_slice %arg4[%mul3A_133, %dma_start3A_137] : memref<100000x128xf32, #tpu.memory_space<hbm>> -> memref<160x128xf32, #tpu.memory_space<hbm>>
        %dma_start3A_139 = arith.constant 0 : i32
        %dma_start3A_140 = tpu.memref_slice %arg4[%mul3A_133, %dma_start3A_139] : memref<100000x128xf32, #tpu.memory_space<hbm>> -> memref<160x128xf32, #tpu.memory_space<hbm>>
        %dma_start3A_141 = arith.constant 0 : i32
        %dma_start3A_142 = arith.constant 0 : i32
        %dma_start3A_143 = tpu.memref_slice %arg6[%dma_start3A_141, %dma_start3A_142] : memref<384x128xf32, #tpu.memory_space<vmem>> -> memref<160x128xf32, #tpu.memory_space<vmem>>
        tpu.enqueue_dma source(%dma_start3A_143 : memref<160x128xf32, #tpu.memory_space<vmem>>) target(%dma_start3A_140 : memref<160x128xf32, #tpu.memory_space<hbm>>) target_semaphore(%arg9 : memref<!tpu.dma_semaphore, #tpu.memory_space<semaphore_mem>>)
      } else {
      }
      %mul3A_58 = arith.constant 2 : i32
      %mul3A_59 = arith.muli %mul3A_58, %scan3A_26 : i32
      %add3A_60 = arith.constant 1 : i32
      %add3A_61 = arith.addi %mul3A_59, %add3A_60 : i32
      %mul3A_62 = arith.constant 32 : i32
      %mul3A_63 = arith.muli %add3A_61, %mul3A_62 : i32
      %add3A_64 = arith.addi %mul3A_63, %add3A : i32
      %ge3A_65 = arith.constant 64 : i32
      %ge3A_66 = arith.cmpi sge, %add3A_64, %ge3A_65 : i32
      %sub3A_67 = arith.constant 64 : i32
      %sub3A_68 = arith.subi %add3A_64, %sub3A_67 : i32
      %lt3A_69 = arith.constant 260 : i32
      %lt3A_70 = arith.cmpi slt, %sub3A_68, %lt3A_69 : i32
      %and3A_71 = arith.andi %ge3A_66, %lt3A_70 : i1
      %convert_element_type3A_72 = arith.extui %and3A_71 : i1 to i32
      %cond3A_73 = arith.constant 0 : i32
      %cond3A_74 = arith.cmpi ne, %convert_element_type3A_72, %cond3A_73 : i32
      scf.if %cond3A_74 {
        %dma_wait3A = arith.constant 0 : i32
        %dma_wait3A_92 = arith.constant 0 : i32
        %dma_wait3A_93 = tpu.memref_slice %arg6[%dma_wait3A, %dma_wait3A_92] : memref<384x128xf32, #tpu.memory_space<vmem>> -> memref<384x128xf32, #tpu.memory_space<vmem>>
        %dma_wait3A_94 = arith.constant 0 : i32
        %dma_wait3A_95 = arith.constant 0 : i32
        %dma_wait3A_96 = tpu.memref_slice %arg4[%dma_wait3A_94, %dma_wait3A_95] : memref<100000x128xf32, #tpu.memory_space<hbm>> -> memref<384x128xf32, #tpu.memory_space<hbm>>
        %dma_wait3A_97 = arith.constant 0 : i32
        %dma_wait3A_98 = arith.constant 0 : i32
        %dma_wait3A_99 = tpu.memref_slice %arg4[%dma_wait3A_97, %dma_wait3A_98] : memref<100000x128xf32, #tpu.memory_space<hbm>> -> memref<384x128xf32, #tpu.memory_space<hbm>>
        %dma_wait3A_100 = arith.constant 0 : i32
        %dma_wait3A_101 = arith.constant 0 : i32
        %dma_wait3A_102 = tpu.memref_slice %arg6[%dma_wait3A_100, %dma_wait3A_101] : memref<384x128xf32, #tpu.memory_space<vmem>> -> memref<384x128xf32, #tpu.memory_space<vmem>>
        tpu.wait_dma2 semaphore(%arg9 : memref<!tpu.dma_semaphore, #tpu.memory_space<semaphore_mem>>) src(%dma_wait3A_102 : memref<384x128xf32, #tpu.memory_space<vmem>>) dst(%dma_wait3A_99 : memref<384x128xf32, #tpu.memory_space<hbm>>)
      } else {
      }
      %sub3A_75 = arith.constant 64 : i32
      %sub3A_76 = arith.subi %add3A_64, %sub3A_75 : i32
      %eq3A_77 = arith.constant 260 : i32
      %eq3A_78 = arith.cmpi eq, %sub3A_76, %eq3A_77 : i32
      %convert_element_type3A_79 = arith.extui %eq3A_78 : i1 to i32
      %cond3A_80 = arith.constant 0 : i32
      %cond3A_81 = arith.cmpi ne, %convert_element_type3A_79, %cond3A_80 : i32
      scf.if %cond3A_81 {
        %dma_wait3A = arith.constant 0 : i32
        %dma_wait3A_92 = arith.constant 0 : i32
        %dma_wait3A_93 = tpu.memref_slice %arg6[%dma_wait3A, %dma_wait3A_92] : memref<384x128xf32, #tpu.memory_space<vmem>> -> memref<160x128xf32, #tpu.memory_space<vmem>>
        %dma_wait3A_94 = arith.constant 0 : i32
        %dma_wait3A_95 = arith.constant 0 : i32
        %dma_wait3A_96 = tpu.memref_slice %arg4[%dma_wait3A_94, %dma_wait3A_95] : memref<100000x128xf32, #tpu.memory_space<hbm>> -> memref<160x128xf32, #tpu.memory_space<hbm>>
        %dma_wait3A_97 = arith.constant 0 : i32
        %dma_wait3A_98 = arith.constant 0 : i32
        %dma_wait3A_99 = tpu.memref_slice %arg4[%dma_wait3A_97, %dma_wait3A_98] : memref<100000x128xf32, #tpu.memory_space<hbm>> -> memref<160x128xf32, #tpu.memory_space<hbm>>
        %dma_wait3A_100 = arith.constant 0 : i32
        %dma_wait3A_101 = arith.constant 0 : i32
        %dma_wait3A_102 = tpu.memref_slice %arg6[%dma_wait3A_100, %dma_wait3A_101] : memref<384x128xf32, #tpu.memory_space<vmem>> -> memref<160x128xf32, #tpu.memory_space<vmem>>
        tpu.wait_dma2 semaphore(%arg9 : memref<!tpu.dma_semaphore, #tpu.memory_space<semaphore_mem>>) src(%dma_wait3A_102 : memref<160x128xf32, #tpu.memory_space<vmem>>) dst(%dma_wait3A_99 : memref<160x128xf32, #tpu.memory_space<hbm>>)
      } else {
      }
      %lt3A_82 = arith.constant 260 : i32
      %lt3A_83 = arith.cmpi slt, %add3A_64, %lt3A_82 : i32
      %convert_element_type3A_84 = arith.extui %lt3A_83 : i1 to i32
      %cond3A_85 = arith.constant 0 : i32
      %cond3A_86 = arith.cmpi ne, %convert_element_type3A_84, %cond3A_85 : i32
      scf.if %cond3A_86 {
        %mul3A_92 = arith.constant 3 : i32
        %mul3A_93 = arith.muli %mul3A_92, %add3A_61 : i32
        %add3A_94 = arith.constant 0 : i32
        %add3A_95 = arith.addi %mul3A_93, %add3A_94 : i32
        %dma_start3A = arith.constant 0 : i32
        %dma_start3A_96 = arith.constant 0 : i32
        %dma_start3A_97 = tpu.memref_slice %arg7[%dma_start3A, %dma_start3A_96] : memref<384x128xf32, #tpu.memory_space<vmem>> -> memref<128x128xf32, #tpu.memory_space<vmem>>
        %dma_start3A_98 = arith.constant 0 : i32
        %dma_start3A_99 = tpu.memref_slice %arg5[%add3A_95, %dma_start3A_98] : memref<30x128xi32, #tpu.memory_space<vmem>> -> memref<1x128xi32, #tpu.memory_space<vmem>>
        %dma_start3A_100 = tpu.memref_squeeze %dma_start3A_99 : memref<1x128xi32, #tpu.memory_space<vmem>> -> memref<128xi32, #tpu.memory_space<vmem>>
        %dma_start3A_101 = arith.constant 0 : i32
        %dma_start3A_102 = arith.constant 0 : i32
        %dma_start3A_103 = tpu.memref_slice %arg2[%dma_start3A_101, %dma_start3A_102] : memref<50000x128xf32, #tpu.memory_space<hbm>> -> memref<50000x128xf32, #tpu.memory_space<hbm>>
        tpu.enqueue_indirect_dma source(%dma_start3A_103 : memref<50000x128xf32, #tpu.memory_space<hbm>>) target(%dma_start3A_97 : memref<128x128xf32, #tpu.memory_space<vmem>>) offsets(%dma_start3A_100 : memref<128xi32, #tpu.memory_space<vmem>>) semaphore(%arg8 : memref<!tpu.dma_semaphore, #tpu.memory_space<semaphore_mem>>)
        %mul3A_104 = arith.constant 3 : i32
        %mul3A_105 = arith.muli %mul3A_104, %add3A_61 : i32
        %add3A_106 = arith.constant 1 : i32
        %add3A_107 = arith.addi %mul3A_105, %add3A_106 : i32
        %dma_start3A_108 = arith.constant 128 : i32
        %dma_start3A_109 = arith.constant 0 : i32
        %dma_start3A_110 = tpu.memref_slice %arg7[%dma_start3A_108, %dma_start3A_109] : memref<384x128xf32, #tpu.memory_space<vmem>> -> memref<128x128xf32, #tpu.memory_space<vmem>>
        %dma_start3A_111 = arith.constant 0 : i32
        %dma_start3A_112 = tpu.memref_slice %arg5[%add3A_107, %dma_start3A_111] : memref<30x128xi32, #tpu.memory_space<vmem>> -> memref<1x128xi32, #tpu.memory_space<vmem>>
        %dma_start3A_113 = tpu.memref_squeeze %dma_start3A_112 : memref<1x128xi32, #tpu.memory_space<vmem>> -> memref<128xi32, #tpu.memory_space<vmem>>
        %dma_start3A_114 = arith.constant 0 : i32
        %dma_start3A_115 = arith.constant 0 : i32
        %dma_start3A_116 = tpu.memref_slice %arg2[%dma_start3A_114, %dma_start3A_115] : memref<50000x128xf32, #tpu.memory_space<hbm>> -> memref<50000x128xf32, #tpu.memory_space<hbm>>
        tpu.enqueue_indirect_dma source(%dma_start3A_116 : memref<50000x128xf32, #tpu.memory_space<hbm>>) target(%dma_start3A_110 : memref<128x128xf32, #tpu.memory_space<vmem>>) offsets(%dma_start3A_113 : memref<128xi32, #tpu.memory_space<vmem>>) semaphore(%arg8 : memref<!tpu.dma_semaphore, #tpu.memory_space<semaphore_mem>>)
        %mul3A_117 = arith.constant 3 : i32
        %mul3A_118 = arith.muli %mul3A_117, %add3A_61 : i32
        %add3A_119 = arith.constant 2 : i32
        %add3A_120 = arith.addi %mul3A_118, %add3A_119 : i32
        %dma_start3A_121 = arith.constant 256 : i32
        %dma_start3A_122 = arith.constant 0 : i32
        %dma_start3A_123 = tpu.memref_slice %arg7[%dma_start3A_121, %dma_start3A_122] : memref<384x128xf32, #tpu.memory_space<vmem>> -> memref<128x128xf32, #tpu.memory_space<vmem>>
        %dma_start3A_124 = arith.constant 0 : i32
        %dma_start3A_125 = tpu.memref_slice %arg5[%add3A_120, %dma_start3A_124] : memref<30x128xi32, #tpu.memory_space<vmem>> -> memref<1x128xi32, #tpu.memory_space<vmem>>
        %dma_start3A_126 = tpu.memref_squeeze %dma_start3A_125 : memref<1x128xi32, #tpu.memory_space<vmem>> -> memref<128xi32, #tpu.memory_space<vmem>>
        %dma_start3A_127 = arith.constant 0 : i32
        %dma_start3A_128 = arith.constant 0 : i32
        %dma_start3A_129 = tpu.memref_slice %arg2[%dma_start3A_127, %dma_start3A_128] : memref<50000x128xf32, #tpu.memory_space<hbm>> -> memref<50000x128xf32, #tpu.memory_space<hbm>>
        tpu.enqueue_indirect_dma source(%dma_start3A_129 : memref<50000x128xf32, #tpu.memory_space<hbm>>) target(%dma_start3A_123 : memref<128x128xf32, #tpu.memory_space<vmem>>) offsets(%dma_start3A_126 : memref<128xi32, #tpu.memory_space<vmem>>) semaphore(%arg8 : memref<!tpu.dma_semaphore, #tpu.memory_space<semaphore_mem>>)
        %dma_wait3A = arith.constant 0 : i32
        %dma_wait3A_130 = arith.constant 0 : i32
        %dma_wait3A_131 = tpu.memref_slice %arg7[%dma_wait3A, %dma_wait3A_130] : memref<384x128xf32, #tpu.memory_space<vmem>> -> memref<128x128xf32, #tpu.memory_space<vmem>>
        %dma_wait3A_132 = arith.constant 0 : i32
        %dma_wait3A_133 = tpu.memref_slice %arg5[%add3A_95, %dma_wait3A_132] : memref<30x128xi32, #tpu.memory_space<vmem>> -> memref<1x128xi32, #tpu.memory_space<vmem>>
        %dma_wait3A_134 = tpu.memref_squeeze %dma_wait3A_133 : memref<1x128xi32, #tpu.memory_space<vmem>> -> memref<128xi32, #tpu.memory_space<vmem>>
        %dma_wait3A_135 = arith.constant 0 : i32
        %dma_wait3A_136 = arith.constant 0 : i32
        %dma_wait3A_137 = tpu.memref_slice %arg2[%dma_wait3A_135, %dma_wait3A_136] : memref<50000x128xf32, #tpu.memory_space<hbm>> -> memref<50000x128xf32, #tpu.memory_space<hbm>>
        tpu.wait_indirect_dma semaphore(%arg8 : memref<!tpu.dma_semaphore, #tpu.memory_space<semaphore_mem>>) src(%dma_wait3A_137 : memref<50000x128xf32, #tpu.memory_space<hbm>>) dst(%dma_wait3A_131 : memref<128x128xf32, #tpu.memory_space<vmem>>)
        %dma_wait3A_138 = arith.constant 128 : i32
        %dma_wait3A_139 = arith.constant 0 : i32
        %dma_wait3A_140 = tpu.memref_slice %arg7[%dma_wait3A_138, %dma_wait3A_139] : memref<384x128xf32, #tpu.memory_space<vmem>> -> memref<128x128xf32, #tpu.memory_space<vmem>>
        %dma_wait3A_141 = arith.constant 0 : i32
        %dma_wait3A_142 = tpu.memref_slice %arg5[%add3A_107, %dma_wait3A_141] : memref<30x128xi32, #tpu.memory_space<vmem>> -> memref<1x128xi32, #tpu.memory_space<vmem>>
        %dma_wait3A_143 = tpu.memref_squeeze %dma_wait3A_142 : memref<1x128xi32, #tpu.memory_space<vmem>> -> memref<128xi32, #tpu.memory_space<vmem>>
        %dma_wait3A_144 = arith.constant 0 : i32
        %dma_wait3A_145 = arith.constant 0 : i32
        %dma_wait3A_146 = tpu.memref_slice %arg2[%dma_wait3A_144, %dma_wait3A_145] : memref<50000x128xf32, #tpu.memory_space<hbm>> -> memref<50000x128xf32, #tpu.memory_space<hbm>>
        tpu.wait_indirect_dma semaphore(%arg8 : memref<!tpu.dma_semaphore, #tpu.memory_space<semaphore_mem>>) src(%dma_wait3A_146 : memref<50000x128xf32, #tpu.memory_space<hbm>>) dst(%dma_wait3A_140 : memref<128x128xf32, #tpu.memory_space<vmem>>)
        %dma_wait3A_147 = arith.constant 256 : i32
        %dma_wait3A_148 = arith.constant 0 : i32
        %dma_wait3A_149 = tpu.memref_slice %arg7[%dma_wait3A_147, %dma_wait3A_148] : memref<384x128xf32, #tpu.memory_space<vmem>> -> memref<128x128xf32, #tpu.memory_space<vmem>>
        %dma_wait3A_150 = arith.constant 0 : i32
        %dma_wait3A_151 = tpu.memref_slice %arg5[%add3A_120, %dma_wait3A_150] : memref<30x128xi32, #tpu.memory_space<vmem>> -> memref<1x128xi32, #tpu.memory_space<vmem>>
        %dma_wait3A_152 = tpu.memref_squeeze %dma_wait3A_151 : memref<1x128xi32, #tpu.memory_space<vmem>> -> memref<128xi32, #tpu.memory_space<vmem>>
        %dma_wait3A_153 = arith.constant 0 : i32
        %dma_wait3A_154 = arith.constant 0 : i32
        %dma_wait3A_155 = tpu.memref_slice %arg2[%dma_wait3A_153, %dma_wait3A_154] : memref<50000x128xf32, #tpu.memory_space<hbm>> -> memref<50000x128xf32, #tpu.memory_space<hbm>>
        tpu.wait_indirect_dma semaphore(%arg8 : memref<!tpu.dma_semaphore, #tpu.memory_space<semaphore_mem>>) src(%dma_wait3A_155 : memref<50000x128xf32, #tpu.memory_space<hbm>>) dst(%dma_wait3A_149 : memref<128x128xf32, #tpu.memory_space<vmem>>)
        %mul3A_156 = arith.constant 384 : i32
        %mul3A_157 = arith.muli %add3A_64, %mul3A_156 : i32
        %dma_start3A_158 = arith.constant 0 : i32
        %dma_start3A_159 = tpu.memref_slice %arg4[%mul3A_157, %dma_start3A_158] : memref<100000x128xf32, #tpu.memory_space<hbm>> -> memref<384x128xf32, #tpu.memory_space<hbm>>
        %dma_start3A_160 = arith.constant 0 : i32
        %dma_start3A_161 = tpu.memref_slice %arg4[%mul3A_157, %dma_start3A_160] : memref<100000x128xf32, #tpu.memory_space<hbm>> -> memref<384x128xf32, #tpu.memory_space<hbm>>
        tpu.enqueue_dma source(%arg7 : memref<384x128xf32, #tpu.memory_space<vmem>>) target(%dma_start3A_161 : memref<384x128xf32, #tpu.memory_space<hbm>>) target_semaphore(%arg9 : memref<!tpu.dma_semaphore, #tpu.memory_space<semaphore_mem>>)
      } else {
      }
      %eq3A_87 = arith.constant 260 : i32
      %eq3A_88 = arith.cmpi eq, %add3A_64, %eq3A_87 : i32
      %convert_element_type3A_89 = arith.extui %eq3A_88 : i1 to i32
      %cond3A_90 = arith.constant 0 : i32
      %cond3A_91 = arith.cmpi ne, %convert_element_type3A_89, %cond3A_90 : i32
      scf.if %cond3A_91 {
        %mul3A_92 = arith.constant 3 : i32
        %mul3A_93 = arith.muli %mul3A_92, %add3A_61 : i32
        %dma_start3A = arith.constant 0 : i32
        %dma_start3A_94 = arith.constant 0 : i32
        %dma_start3A_95 = tpu.memref_slice %arg7[%dma_start3A, %dma_start3A_94] : memref<384x128xf32, #tpu.memory_space<vmem>> -> memref<128x128xf32, #tpu.memory_space<vmem>>
        %dma_start3A_96 = arith.constant 0 : i32
        %dma_start3A_97 = tpu.memref_slice %arg5[%mul3A_93, %dma_start3A_96] : memref<30x128xi32, #tpu.memory_space<vmem>> -> memref<1x128xi32, #tpu.memory_space<vmem>>
        %dma_start3A_98 = tpu.memref_squeeze %dma_start3A_97 : memref<1x128xi32, #tpu.memory_space<vmem>> -> memref<128xi32, #tpu.memory_space<vmem>>
        %dma_start3A_99 = arith.constant 0 : i32
        %dma_start3A_100 = arith.constant 0 : i32
        %dma_start3A_101 = tpu.memref_slice %arg2[%dma_start3A_99, %dma_start3A_100] : memref<50000x128xf32, #tpu.memory_space<hbm>> -> memref<50000x128xf32, #tpu.memory_space<hbm>>
        tpu.enqueue_indirect_dma source(%dma_start3A_101 : memref<50000x128xf32, #tpu.memory_space<hbm>>) target(%dma_start3A_95 : memref<128x128xf32, #tpu.memory_space<vmem>>) offsets(%dma_start3A_98 : memref<128xi32, #tpu.memory_space<vmem>>) semaphore(%arg8 : memref<!tpu.dma_semaphore, #tpu.memory_space<semaphore_mem>>)
        %mul3A_102 = arith.constant 3 : i32
        %mul3A_103 = arith.muli %mul3A_102, %add3A_61 : i32
        %add3A_104 = arith.constant 1 : i32
        %add3A_105 = arith.addi %mul3A_103, %add3A_104 : i32
        %dma_start3A_106 = arith.constant 128 : i32
        %dma_start3A_107 = arith.constant 0 : i32
        %dma_start3A_108 = tpu.memref_slice %arg7[%dma_start3A_106, %dma_start3A_107] : memref<384x128xf32, #tpu.memory_space<vmem>> -> memref<32x128xf32, #tpu.memory_space<vmem>>
        %dma_start3A_109 = arith.constant 0 : i32
        %dma_start3A_110 = tpu.memref_slice %arg5[%add3A_105, %dma_start3A_109] : memref<30x128xi32, #tpu.memory_space<vmem>> -> memref<1x32xi32, #tpu.memory_space<vmem>>
        %dma_start3A_111 = tpu.memref_squeeze %dma_start3A_110 : memref<1x32xi32, #tpu.memory_space<vmem>> -> memref<32xi32, #tpu.memory_space<vmem>>
        %dma_start3A_112 = arith.constant 0 : i32
        %dma_start3A_113 = arith.constant 0 : i32
        %dma_start3A_114 = tpu.memref_slice %arg2[%dma_start3A_112, %dma_start3A_113] : memref<50000x128xf32, #tpu.memory_space<hbm>> -> memref<50000x128xf32, #tpu.memory_space<hbm>>
        tpu.enqueue_indirect_dma source(%dma_start3A_114 : memref<50000x128xf32, #tpu.memory_space<hbm>>) target(%dma_start3A_108 : memref<32x128xf32, #tpu.memory_space<vmem>>) offsets(%dma_start3A_111 : memref<32xi32, #tpu.memory_space<vmem>>) semaphore(%arg8 : memref<!tpu.dma_semaphore, #tpu.memory_space<semaphore_mem>>)
        %dma_wait3A = arith.constant 0 : i32
        %dma_wait3A_115 = arith.constant 0 : i32
        %dma_wait3A_116 = tpu.memref_slice %arg7[%dma_wait3A, %dma_wait3A_115] : memref<384x128xf32, #tpu.memory_space<vmem>> -> memref<128x128xf32, #tpu.memory_space<vmem>>
        %dma_wait3A_117 = arith.constant 0 : i32
        %dma_wait3A_118 = tpu.memref_slice %arg5[%mul3A_93, %dma_wait3A_117] : memref<30x128xi32, #tpu.memory_space<vmem>> -> memref<1x128xi32, #tpu.memory_space<vmem>>
        %dma_wait3A_119 = tpu.memref_squeeze %dma_wait3A_118 : memref<1x128xi32, #tpu.memory_space<vmem>> -> memref<128xi32, #tpu.memory_space<vmem>>
        %dma_wait3A_120 = arith.constant 0 : i32
        %dma_wait3A_121 = arith.constant 0 : i32
        %dma_wait3A_122 = tpu.memref_slice %arg2[%dma_wait3A_120, %dma_wait3A_121] : memref<50000x128xf32, #tpu.memory_space<hbm>> -> memref<50000x128xf32, #tpu.memory_space<hbm>>
        tpu.wait_indirect_dma semaphore(%arg8 : memref<!tpu.dma_semaphore, #tpu.memory_space<semaphore_mem>>) src(%dma_wait3A_122 : memref<50000x128xf32, #tpu.memory_space<hbm>>) dst(%dma_wait3A_116 : memref<128x128xf32, #tpu.memory_space<vmem>>)
        %dma_wait3A_123 = arith.constant 128 : i32
        %dma_wait3A_124 = arith.constant 0 : i32
        %dma_wait3A_125 = tpu.memref_slice %arg7[%dma_wait3A_123, %dma_wait3A_124] : memref<384x128xf32, #tpu.memory_space<vmem>> -> memref<32x128xf32, #tpu.memory_space<vmem>>
        %dma_wait3A_126 = arith.constant 0 : i32
        %dma_wait3A_127 = tpu.memref_slice %arg5[%add3A_105, %dma_wait3A_126] : memref<30x128xi32, #tpu.memory_space<vmem>> -> memref<1x32xi32, #tpu.memory_space<vmem>>
        %dma_wait3A_128 = tpu.memref_squeeze %dma_wait3A_127 : memref<1x32xi32, #tpu.memory_space<vmem>> -> memref<32xi32, #tpu.memory_space<vmem>>
        %dma_wait3A_129 = arith.constant 0 : i32
        %dma_wait3A_130 = arith.constant 0 : i32
        %dma_wait3A_131 = tpu.memref_slice %arg2[%dma_wait3A_129, %dma_wait3A_130] : memref<50000x128xf32, #tpu.memory_space<hbm>> -> memref<50000x128xf32, #tpu.memory_space<hbm>>
        tpu.wait_indirect_dma semaphore(%arg8 : memref<!tpu.dma_semaphore, #tpu.memory_space<semaphore_mem>>) src(%dma_wait3A_131 : memref<50000x128xf32, #tpu.memory_space<hbm>>) dst(%dma_wait3A_125 : memref<32x128xf32, #tpu.memory_space<vmem>>)
        %mul3A_132 = arith.constant 384 : i32
        %mul3A_133 = arith.muli %add3A_64, %mul3A_132 : i32
        %dma_start3A_134 = arith.constant 0 : i32
        %dma_start3A_135 = arith.constant 0 : i32
        %dma_start3A_136 = tpu.memref_slice %arg7[%dma_start3A_134, %dma_start3A_135] : memref<384x128xf32, #tpu.memory_space<vmem>> -> memref<160x128xf32, #tpu.memory_space<vmem>>
        %dma_start3A_137 = arith.constant 0 : i32
        %dma_start3A_138 = tpu.memref_slice %arg4[%mul3A_133, %dma_start3A_137] : memref<100000x128xf32, #tpu.memory_space<hbm>> -> memref<160x128xf32, #tpu.memory_space<hbm>>
        %dma_start3A_139 = arith.constant 0 : i32
        %dma_start3A_140 = tpu.memref_slice %arg4[%mul3A_133, %dma_start3A_139] : memref<100000x128xf32, #tpu.memory_space<hbm>> -> memref<160x128xf32, #tpu.memory_space<hbm>>
        %dma_start3A_141 = arith.constant 0 : i32
        %dma_start3A_142 = arith.constant 0 : i32
        %dma_start3A_143 = tpu.memref_slice %arg7[%dma_start3A_141, %dma_start3A_142] : memref<384x128xf32, #tpu.memory_space<vmem>> -> memref<160x128xf32, #tpu.memory_space<vmem>>
        tpu.enqueue_dma source(%dma_start3A_143 : memref<160x128xf32, #tpu.memory_space<vmem>>) target(%dma_start3A_140 : memref<160x128xf32, #tpu.memory_space<hbm>>) target_semaphore(%arg9 : memref<!tpu.dma_semaphore, #tpu.memory_space<semaphore_mem>>)
      } else {
      }
    }
    %scan3A_5 = arith.constant 5 : i32
    %add3A_6 = arith.constant 256 : i32
    %add3A_7 = arith.addi %add3A_6, %add3A : i32
    %lt3A = arith.constant 260 : i32
    %lt3A_8 = arith.cmpi slt, %add3A_7, %lt3A : i32
    %convert_element_type3A = arith.extui %lt3A_8 : i1 to i32
    %cond3A = arith.constant 0 : i32
    %cond3A_9 = arith.cmpi ne, %convert_element_type3A, %cond3A : i32
    scf.if %cond3A_9 {
      %dma_wait3A = arith.constant 0 : i32
      %dma_wait3A_26 = arith.constant 0 : i32
      %dma_wait3A_27 = tpu.memref_slice %arg6[%dma_wait3A, %dma_wait3A_26] : memref<384x128xf32, #tpu.memory_space<vmem>> -> memref<384x128xf32, #tpu.memory_space<vmem>>
      %dma_wait3A_28 = arith.constant 0 : i32
      %dma_wait3A_29 = arith.constant 0 : i32
      %dma_wait3A_30 = tpu.memref_slice %arg4[%dma_wait3A_28, %dma_wait3A_29] : memref<100000x128xf32, #tpu.memory_space<hbm>> -> memref<384x128xf32, #tpu.memory_space<hbm>>
      %dma_wait3A_31 = arith.constant 0 : i32
      %dma_wait3A_32 = arith.constant 0 : i32
      %dma_wait3A_33 = tpu.memref_slice %arg4[%dma_wait3A_31, %dma_wait3A_32] : memref<100000x128xf32, #tpu.memory_space<hbm>> -> memref<384x128xf32, #tpu.memory_space<hbm>>
      %dma_wait3A_34 = arith.constant 0 : i32
      %dma_wait3A_35 = arith.constant 0 : i32
      %dma_wait3A_36 = tpu.memref_slice %arg6[%dma_wait3A_34, %dma_wait3A_35] : memref<384x128xf32, #tpu.memory_space<vmem>> -> memref<384x128xf32, #tpu.memory_space<vmem>>
      tpu.wait_dma2 semaphore(%arg9 : memref<!tpu.dma_semaphore, #tpu.memory_space<semaphore_mem>>) src(%dma_wait3A_36 : memref<384x128xf32, #tpu.memory_space<vmem>>) dst(%dma_wait3A_33 : memref<384x128xf32, #tpu.memory_space<hbm>>)
    } else {
    }
    %eq3A = arith.constant 260 : i32
    %eq3A_10 = arith.cmpi eq, %add3A_7, %eq3A : i32
    %convert_element_type3A_11 = arith.extui %eq3A_10 : i1 to i32
    %cond3A_12 = arith.constant 0 : i32
    %cond3A_13 = arith.cmpi ne, %convert_element_type3A_11, %cond3A_12 : i32
    scf.if %cond3A_13 {
      %dma_wait3A = arith.constant 0 : i32
      %dma_wait3A_26 = arith.constant 0 : i32
      %dma_wait3A_27 = tpu.memref_slice %arg6[%dma_wait3A, %dma_wait3A_26] : memref<384x128xf32, #tpu.memory_space<vmem>> -> memref<160x128xf32, #tpu.memory_space<vmem>>
      %dma_wait3A_28 = arith.constant 0 : i32
      %dma_wait3A_29 = arith.constant 0 : i32
      %dma_wait3A_30 = tpu.memref_slice %arg4[%dma_wait3A_28, %dma_wait3A_29] : memref<100000x128xf32, #tpu.memory_space<hbm>> -> memref<160x128xf32, #tpu.memory_space<hbm>>
      %dma_wait3A_31 = arith.constant 0 : i32
      %dma_wait3A_32 = arith.constant 0 : i32
      %dma_wait3A_33 = tpu.memref_slice %arg4[%dma_wait3A_31, %dma_wait3A_32] : memref<100000x128xf32, #tpu.memory_space<hbm>> -> memref<160x128xf32, #tpu.memory_space<hbm>>
      %dma_wait3A_34 = arith.constant 0 : i32
      %dma_wait3A_35 = arith.constant 0 : i32
      %dma_wait3A_36 = tpu.memref_slice %arg6[%dma_wait3A_34, %dma_wait3A_35] : memref<384x128xf32, #tpu.memory_space<vmem>> -> memref<160x128xf32, #tpu.memory_space<vmem>>
      tpu.wait_dma2 semaphore(%arg9 : memref<!tpu.dma_semaphore, #tpu.memory_space<semaphore_mem>>) src(%dma_wait3A_36 : memref<160x128xf32, #tpu.memory_space<vmem>>) dst(%dma_wait3A_33 : memref<160x128xf32, #tpu.memory_space<hbm>>)
    } else {
    }
    %add3A_14 = arith.constant 288 : i32
    %add3A_15 = arith.addi %add3A_14, %add3A : i32
    %lt3A_16 = arith.constant 260 : i32
    %lt3A_17 = arith.cmpi slt, %add3A_15, %lt3A_16 : i32
    %convert_element_type3A_18 = arith.extui %lt3A_17 : i1 to i32
    %cond3A_19 = arith.constant 0 : i32
    %cond3A_20 = arith.cmpi ne, %convert_element_type3A_18, %cond3A_19 : i32
    scf.if %cond3A_20 {
      %dma_wait3A = arith.constant 0 : i32
      %dma_wait3A_26 = arith.constant 0 : i32
      %dma_wait3A_27 = tpu.memref_slice %arg6[%dma_wait3A, %dma_wait3A_26] : memref<384x128xf32, #tpu.memory_space<vmem>> -> memref<384x128xf32, #tpu.memory_space<vmem>>
      %dma_wait3A_28 = arith.constant 0 : i32
      %dma_wait3A_29 = arith.constant 0 : i32
      %dma_wait3A_30 = tpu.memref_slice %arg4[%dma_wait3A_28, %dma_wait3A_29] : memref<100000x128xf32, #tpu.memory_space<hbm>> -> memref<384x128xf32, #tpu.memory_space<hbm>>
      %dma_wait3A_31 = arith.constant 0 : i32
      %dma_wait3A_32 = arith.constant 0 : i32
      %dma_wait3A_33 = tpu.memref_slice %arg4[%dma_wait3A_31, %dma_wait3A_32] : memref<100000x128xf32, #tpu.memory_space<hbm>> -> memref<384x128xf32, #tpu.memory_space<hbm>>
      %dma_wait3A_34 = arith.constant 0 : i32
      %dma_wait3A_35 = arith.constant 0 : i32
      %dma_wait3A_36 = tpu.memref_slice %arg6[%dma_wait3A_34, %dma_wait3A_35] : memref<384x128xf32, #tpu.memory_space<vmem>> -> memref<384x128xf32, #tpu.memory_space<vmem>>
      tpu.wait_dma2 semaphore(%arg9 : memref<!tpu.dma_semaphore, #tpu.memory_space<semaphore_mem>>) src(%dma_wait3A_36 : memref<384x128xf32, #tpu.memory_space<vmem>>) dst(%dma_wait3A_33 : memref<384x128xf32, #tpu.memory_space<hbm>>)
    } else {
    }
    %eq3A_21 = arith.constant 260 : i32
    %eq3A_22 = arith.cmpi eq, %add3A_15, %eq3A_21 : i32
    %convert_element_type3A_23 = arith.extui %eq3A_22 : i1 to i32
    %cond3A_24 = arith.constant 0 : i32
    %cond3A_25 = arith.cmpi ne, %convert_element_type3A_23, %cond3A_24 : i32
    scf.if %cond3A_25 {
      %dma_wait3A = arith.constant 0 : i32
      %dma_wait3A_26 = arith.constant 0 : i32
      %dma_wait3A_27 = tpu.memref_slice %arg6[%dma_wait3A, %dma_wait3A_26] : memref<384x128xf32, #tpu.memory_space<vmem>> -> memref<160x128xf32, #tpu.memory_space<vmem>>
      %dma_wait3A_28 = arith.constant 0 : i32
      %dma_wait3A_29 = arith.constant 0 : i32
      %dma_wait3A_30 = tpu.memref_slice %arg4[%dma_wait3A_28, %dma_wait3A_29] : memref<100000x128xf32, #tpu.memory_space<hbm>> -> memref<160x128xf32, #tpu.memory_space<hbm>>
      %dma_wait3A_31 = arith.constant 0 : i32
      %dma_wait3A_32 = arith.constant 0 : i32
      %dma_wait3A_33 = tpu.memref_slice %arg4[%dma_wait3A_31, %dma_wait3A_32] : memref<100000x128xf32, #tpu.memory_space<hbm>> -> memref<160x128xf32, #tpu.memory_space<hbm>>
      %dma_wait3A_34 = arith.constant 0 : i32
      %dma_wait3A_35 = arith.constant 0 : i32
      %dma_wait3A_36 = tpu.memref_slice %arg6[%dma_wait3A_34, %dma_wait3A_35] : memref<384x128xf32, #tpu.memory_space<vmem>> -> memref<160x128xf32, #tpu.memory_space<vmem>>
      tpu.wait_dma2 semaphore(%arg9 : memref<!tpu.dma_semaphore, #tpu.memory_space<semaphore_mem>>) src(%dma_wait3A_36 : memref<160x128xf32, #tpu.memory_space<vmem>>) dst(%dma_wait3A_33 : memref<160x128xf32, #tpu.memory_space<hbm>>)
    } else {
    }
    return
  }
}

</mosaic_0001>

<sc_bundles>
// kernel: kernel.3.cloned.1.call-start
scs
__scs_entry_jumppad:
0x0: {  	(pc) =	sbr.rel $0x88, $3  }
0x1: {  	(tag) =	ssettag $0x0;
	lr =	simm.s32 $0x1  }
0x2: {  	[smem:$0x3F9F] =	sst lr;
	_ =	strace $0xD0000000  }
0x3: {  	_ = 	snop  }
0x4: {  	_ = 	snop  }
0x5: {  	_ = 	snop  }
0x6: {  	_ = 	snop  }
0x7: {  	_ = 	snop  }
__scs_overlays_trampoline_lowered:
0x8: {  	[smem:$0x3FAE] =	sst s0  }
0x9: {  	[smem:$0x3FAF] =	sst s1  }
0xa: {  	[smem:$0x3FB0] =	sst s2  }
0xb: {  	[smem:$0x3FB1] =	sst s3  }
0xc: {  	[smem:$0x3FB2] =	sst s4  }
0xd: {  	[smem:$0x3FB3] =	sst s5  }
0xe: {  	[smem:$0x3FB4] =	sst s6  }
0xf: {  	[smem:$0x3FB5] =	sst s7  }
0x10: {  	[smem:$0x3FB6] =	sst s8  }
0x11: {  	[smem:$0x3FB7] =	sst s9;
	s0 =	simm.s32 @!p0 $0x0  }
0x12: {  	s1 =	sld [smem:$0x3F9D];
	s0 =	simm.s32 @p0 $0x1  }
0x13: {  	[smem:$0x3FB8] =	sst s0;
	s0 =	simm.s32 @!p1 $0x0  }
0x14: {  	s2 =	sld [smem:$0x3F9C];
	s0 =	simm.s32 @p1 $0x1  }
0x15: {  	[smem:$0x3FB9] =	sst s0;
	s0 =	simm.s32 @!p2 $0x0  }
0x16: {  	s3 =	sld [smem:$0x3FDB];
	s0 =	simm.s32 @p2 $0x1  }
0x17: {  	s4 =	simm.s32 $0x1BF5;
	[smem:$0x3FBB] =	sst s0  }
0x18: {  	s0 =	sld [smem:$0x3F9E];
	_ =	swait.ge [sflag:s4], $0x0  }
0x19: {  	s7 =	sld [smem:$0x3F9F]  }
0x1a: {  	s8 =	sadd.s32 $0xFFFFE003, lr  }
0x1b: {  	s9 =	sadd.s32 $0xFFFFFEF7, lr;
	s5 =	simm.s32 $0xFFFFFFFF;
	p2 =	slt.u32 s8, $0xFFFFF086  }
0x1c: {  	p1 =	slt.u32 s9, $0xF7A;
	s5 =	simm.s32 @!p2 $0x0  }
0x1d: {  	s5 =	simm.s32 @p1 $0x1;
	p0 =	seq.s32 s7, s2  }
0x1e: {  	s7 =	smul.u32 @!p0 $0xF7A, s2;
	p2 =	seq.s32 @!p0 s5, $0x0  }
0x1f: {  	s9 =	smul.u32 $0xF7A, s1;
	s8 =	simm.s32 @!p0 $0x1BF5;
	p2 =	por !p2, p0  }
0x20: {  	[sflag:s8] =	ssyncset.s32 @!p0 $0xFFFFF086;
	s6 =	sadd.s32 @!p0 s3, s7;
	s7 =	simm.s32 @!p0 $0x108  }
0x21: {  	s3 =	sadd.s32 s3, s9;
	s6 =	sadd.s32 @!p0 $0x88, s6;
	s7 =	simm.s32 @p2 $0x1082  }
0x22: {  	[simem:s7], [sflag:s8] =	dma.local @!p0 [hbm:s6], $0xF7A  }
0x23: {  	s9 =	sor.u32 $0xD0000000, s2;
	s6 =	simm.s32 $0x108;
	_ =	swait.ge @!p0 [sflag:s8], $0x0  }
0x24: {  	s3 =	sadd.s32 $0x88, s3;
	s6 =	simm.s32 @!p1 $0x1082;
	[sflag:s4] =	ssyncset.s32 $0xFFFFF086  }
0x25: {  	[simem:s6], [sflag:s4] =	dma.local [hbm:s3], $0xF7A  }
0x26: {  	[smem:$0x3F9F] =	sst s1;
	(tag) =	ssettag s2;
	_ =	strace s9  }
0x27: {  	s1 =	sld [smem:$0x3FAF]  }
0x28: {  	s2 =	sld [smem:$0x3FB0]  }
0x29: {  	s4 =	sld [smem:$0x3FB2]  }
0x2a: {  	p0 =	seq.s32 s5, $0x0;
	s5 =	sld [smem:$0x3FB3]  }
0x2b: {  	s6 =	sld [smem:$0x3FB4]  }
0x2c: {  	s7 =	sld [smem:$0x3FB5]  }
0x2d: {  	s3 =	simm.s32 $0x108;
	s8 =	sld [smem:$0x3FB6]  }
0x2e: {  	s3 =	simm.s32 @!p0 $0x1082;
	s9 =	sld [smem:$0x3FB7]  }
0x2f: {  	lr =	sadd.s32 s0, s3;
	s0 =	sld [smem:$0x3FAE]  }
0x30: {  	s3 =	sld [smem:$0x3FB1]  }
0x31: {  	[smem:$0x3FBA] =	sst s10  }
0x32: {  	s10 =	sld [smem:$0x3FB8];
	_ =	sdelay $0x3  }
0x33: {  	p0 =	seq.s32 s10, $0x1;
	s10 =	sld [smem:$0x3FBA];
	_ =	sdelay $0x3  }
0x34: {  	[smem:$0x3FBA] =	sst s10  }
0x35: {  	s10 =	sld [smem:$0x3FB9];
	_ =	sdelay $0x3  }
0x36: {  	p1 =	seq.s32 s10, $0x1;
	s10 =	sld [smem:$0x3FBA];
	_ =	sdelay $0x3  }
0x37: {  	[smem:$0x3FBA] =	sst s10  }
0x38: {  	s10 =	sld [smem:$0x3FBB]  }
0x39: {  	_ = 	snop;
	(pc) =	sbr.ind lr, $3  }
0x3a: {  	_ = 	snop  }
0x3b: {  	_ = 	snop  }
0x3c: {  	p2 =	seq.s32 s10, $0x1;
	s10 =	sld [smem:$0x3FBA]  }
0x3d: {  	_ =	shalt  }
0x3e: {  	_ =	shalt  }
0x3f: {  	_ =	shalt  }
0x40: {  	_ =	shalt  }
0x41: {  	_ =	shalt  }
0x42: {  	_ =	shalt  }
0x43: {  	_ =	shalt  }
0x44: {  	_ =	shalt  }
0x45: {  	_ =	shalt  }
0x46: {  	_ =	shalt  }
0x47: {  	_ =	shalt  }
0x48: {  	_ =	shalt  }
0x49: {  	_ =	shalt  }
0x4a: {  	_ =	shalt  }
0x4b: {  	_ =	shalt  }
0x4c: {  	_ =	shalt  }
0x4d: {  	_ =	shalt  }
0x4e: {  	_ =	shalt  }
0x4f: {  	_ =	shalt  }
0x50: {  	_ =	shalt  }
0x51: {  	_ =	shalt  }
0x52: {  	_ =	shalt  }
0x53: {  	_ =	shalt  }
0x54: {  	_ =	shalt  }
0x55: {  	_ =	shalt  }
0x56: {  	_ =	shalt  }
0x57: {  	_ =	shalt  }
0x58: {  	_ =	shalt  }
0x59: {  	_ =	shalt  }
0x5a: {  	_ =	shalt  }
0x5b: {  	_ =	shalt  }
0x5c: {  	_ =	shalt  }
0x5d: {  	_ =	shalt  }
0x5e: {  	_ =	shalt  }
0x5f: {  	_ =	shalt  }
0x60: {  	_ =	shalt  }
0x61: {  	_ =	shalt  }
0x62: {  	_ =	shalt  }
0x63: {  	_ =	shalt  }
0x64: {  	_ =	shalt  }
0x65: {  	_ =	shalt  }
0x66: {  	_ =	shalt  }
0x67: {  	_ =	shalt  }
0x68: {  	_ =	shalt  }
0x69: {  	_ =	shalt  }
0x6a: {  	_ =	shalt  }
0x6b: {  	_ =	shalt  }
0x6c: {  	_ =	shalt  }
0x6d: {  	_ =	shalt  }
0x6e: {  	_ =	shalt  }
0x6f: {  	_ =	shalt  }
0x70: {  	_ =	shalt  }
0x71: {  	_ =	shalt  }
0x72: {  	_ =	shalt  }
0x73: {  	_ =	shalt  }
0x74: {  	_ =	shalt  }
0x75: {  	_ =	shalt  }
0x76: {  	_ =	shalt  }
0x77: {  	_ =	shalt  }
0x78: {  	_ =	shalt  }
0x79: {  	_ =	shalt  }
0x7a: {  	_ =	shalt  }
0x7b: {  	_ =	shalt  }
0x7c: {  	_ =	shalt  }
0x7d: {  	_ =	shalt  }
0x7e: {  	_ =	shalt  }
0x7f: {  	_ =	shalt  }
0x80: {  	_ =	shalt  }
0x81: {  	_ =	shalt  }
0x82: {  	_ =	shalt  }
0x83: {  	_ =	shalt  }
0x84: {  	_ =	shalt  }
0x85: {  	_ =	shalt  }
0x86: {  	_ =	shalt  }
0x87: {  	_ =	shalt  }
.Lfunc_end0:
.L_simem_size_0:
called_computation_lowered:
.L_overlay_start_0:
0x88: {  	s2 =	sld [smem:$0x3FD9]  }
0x89: {  	s3 =	sld [smem:$0x3FFE];
	_ =	sdelay $0x1  }
0x8a: {  	s1 =	srdreg.scid  }
0x8b: {  	s0 =	sand.u32 $0x1, s1  }
0x8c: {  	s17 =	sshll.u32 s0, $0xA;
	s2 =	sadd.s32 s3, s2  }
0x8d: {  	s2 =	sadd.s32 s2, s17  }
0x8e: {  	[smem:$0x3FC6] =	sst s2  }
0x8f: {  	_ = 	snop  }
0x90: {  	s2 =	sld [smem:$0x3FC9]  }
0x91: {  	s18 =	sld [smem:$0x3FD0];
	(tm) =	ssettm $0x1  }
0x92: {  	s4 =	sld [smem:$0x3FFB];
	_ =	sdelay $0x3  }
0x93: {  	_ =	strace s4  }
0x94: {  	s4 =	sld [smem:$0x3FFC];
	_ =	sdelay $0x3  }
0x95: {  	_ =	strace s4  }
0x96: {  	s4 =	sld [smem:$0x3FFD];
	_ =	sdelay $0x3  }
0x97: {  	_ =	strace s4  }
0x98: {  	_ =	strace $0x8FFFFFFF  }
0x99: {  	s19 =	sld [smem:$0x3FDB];
	_ =	sdelay $0x1  }
0x9a: {  	s5 =	simm.s32 $_scs_section_size  }
0x9b: {  	s6 =	simm.s32 $_size__tile_overlayer_lowered;
	s7 =	simm.s32 $_tile_overlayer_lowered  }
0x9c: {  	s22 =	simm.s32 $0x1BFF;
	s21 =	sshll.u32 s7, $0x1;
	s4 =	sadd.s32 s5, s19  }
0x9d: {  	s8 =	simm.s32 $0x0;
	s20 =	sshll.u32 s6, $0x1;
	s6 =	sadd.s32 s21, s4  }
0x9e: {  	[timem:s8], [sflag:s22] =	dma.local [hbm:s6], s20  }
0x9f: {  	_ =	swait.ge [sflag:s22], s20  }
0xa0: {  	s5 =	ssub.s32 $0x0, s20;
	[sflag:s22] =	ssyncset.done $0x0  }
0xa1: {  	[sflag:s22] =	ssyncadd.s32 s5;
	_ =	sdelay $0x1  }
0xa2: {  	s23 =	simm.s32 $0x1B8B  }
0xa3: {  	_ =	swait.ge [sflag:s23], $0x1  }
0xa4: {  	[sflag:s23] =	ssyncset.done $0x0  }
0xa5: {  	s25 =	simm.s32 $0x1B8E;
	s24 =	sld [smem:$0x3FFE];
	[sflag:s23] =	ssyncadd.s32 $0xFFFFFFFF  }
0xa6: {  	s26 =	simm.s32 $execute0_lowered;
	[smem:$0x3FD2] =	sst s25  }
0xa7: {  	s6 =	sshll.u32 s26, $0x1;
	_ =	strace $0x80000046;
	[dreg:$0x1] =	wrdreg $0xFFFFFFFF  }
0xa8: {  	s28 =	simm.s32 $_size_execute0_lowered;
	s4 =	sadd.s32 s4, s6;
	[dreg:$0x0] =	wrdreg $0x0  }
0xa9: {  	s6 =	sshll.u32 s28, $0x1;
	[dreg:$0x2] =	wrdreg s4  }
0xaa: {  	[dreg:$0x3] =	wrdreg s6  }
0xab: {  	[dreg:$0x4] =	wrdreg $0xC0  }
0xac: {  	_ =	task [dreg:s8], $0x5FFFF  }
0xad: {  	[dreg:$0x1] =	wrdreg $0xFFFFFFFF  }
0xae: {  	[dreg:$0x0] =	wrdreg $0x60  }
0xaf: {  	[dreg:$0x2] =	wrdreg s2  }
0xb0: {  	[dreg:$0x3] =	wrdreg s24  }
0xb1: {  	[dreg:$0x4] =	wrdreg s18  }
0xb2: {  	[dreg:$0x5] =	wrdreg $0x9  }
0xb3: {  	_ =	task.clear_ibuf [dreg:s8], $0x6FFFF;
	_ =	strace $0x90000046  }
0xb4: {  	s29 =	simm.s32 $0x9;
	_ =	strace $0x80000048  }
0xb5: {  	_ =	swait.ge [sflag:s29], $0x1  }
0xb6: {  	[sflag:s29] =	ssyncadd.s32 $0xFFFFFFFF  }
0xb7: {  	_ =	strace $0x90000048  }
0xb8: {  	_ =	sfence  }
0xb9: {  	s30 =	sld [smem:$0x0];
	_ =	sdelay $0x2  }
0xba: {  	s31 =	sshll.u32 s1, $0xD;
	s1 =	sshrl.u32 s1, $0x2  }
0xbb: {  	s3 =	sand.u32 $0x4000, s31;
	s1 =	sadd.s32 s1, s30  }
0xbc: {  	s0 =	sor.u32 s3, s0;
	s1 =	sshll.u32 s1, $0x11  }
0xbd: {  	s0 =	sor.u32 s1, s0  }
0xbe: {  	s0 =	sadd.s32 $0x8F2B, s0  }
0xbf: {  	[sflag:s0] =	ssyncadd.remote.s32 $0x1  }
0xc0: {  	_ =	sfence.sel $0xFFFF  }
0xc1: {  	[dreg:$0x0] =	wrdreg $0xFFFFFFFF;
	(pc) =	sbr.abs _section_cstart, $3  }
0xc2: {  	[dreg:$0x1] =	wrdreg $0xFFFFFFFF  }
0xc3: {  	_ =	task.clear_ibuf [dreg:s8], $0x2FFFF;
	_ =	strace $0x9FFFFFFF  }
0xc4: {  	(tm) =	ssettm $0x7FFFFFFF  }
0xc5: {  	_ =	shalt  }
tec
execute0_lowered:
.L_overlay_start_1:
0x0: {  	(tag) =	ssettag $0x1  }
0x1: {  	s1 =	rddreg [dreg:$0x0]  }
0x2: {  	s4 =	rddreg [dreg:$0x1]  }
0x3: {  	s5 =	rddreg [dreg:$0x2]  }
0x4: {  	s0 =	rddreg [dreg:$0x3]  }
0x5: {  	s6 =	srdreg.scid;
	s2 =	stileid.u32  }
0x6: {  	s3 =	simm.s32 $0x0;
	s6 =	sand.u32 $0x1, s6;
	s28 =	smul.u32 $0x3000, s2  }
0x7: {  	s7 =	sshll.u32 s2, $0x1;
	[smem:$0x7FF] =	sst s3;
	s11 =	smul.u32 $0x60, s2  }
0x8: {  	s13 =	sadd.s32 $0x186000, s5;
	p0 =	sgt.u32 s2, $0x1;
	s9 =	sor.u32 s6, s7  }
0x9: {  	_ =	strace $0x80000047;
	s10 =	smul.u32 $0x1800, s6;
	s29 =	ssub.s32 $0x2, s6  }
0xa: {  	s6 =	smul.u32 $0x30, s6;
	[dreg:$0x5] =	wrdreg s13;
	s8 =	sshll.u32 s9, $0x9  }
0xb: {  	s12 =	sshrl.u32 s29, $0x1;
	s5 =	sadd.s32 s28, s5;
	p1 =	sne.s32 s9, $0x4  }
0xc: {  	s4 =	sadd.s32 s8, s4;
	s8 =	ssub.s32 s29, s12;
	s7 =	sadd.s32 s10, s5  }
0xd: {  	s30 =	sadd.s32 s11, s6;
	s4 =	sadd.s32 $0x400, s4;
	s5 =	smax.u32 s8, $0x1  }
0xe: {  	s6 =	sadd.s32 $0x30000, s7;
	s31 =	sadd.s32 $0xFFFFCF40, s30;
	s7 =	sor.u32 $0x20, s9  }
0xf: {  	s8 =	simm.s32 $0x3;
	s9 =	simm.s32 $0x0;
	[dreg:$0x4] =	wrdreg s31  }
.LBB2_1:
0x10: {  	[tilespmem:s3], [sflag:$0x3] =	stream.linear.gather [hbm4b:s4+s3], $0xF00, $0x38;
	[tilespmem:$0x19000] =	vst v63  }
0x11: {  	s11 =	sadd.s32 $0xFFFFFFA0, s7;
	_ =	swait.ge [sflag:s8], $0xF00  }
0x12: {  	s12 =	sadd.s32 $0xFFFFFFE0, s7;
	p4 =	sgt.u32 s11, $0x103;
	s10 =	rddreg [dreg:$0x4]  }
0x13: {  	p2 =	sgt.u32 s12, $0x103;
	[sflag:s8] =	ssyncset.done $0x0;
	s10 =	sadd.s32 $0x0, s10  }
0x14: {  	s11 =	simm.s32 @!p4 $0x2;
	[sflag:s8] =	ssyncadd.s32 $0xFFFFF100;
	p3 =	sne.s32 @p2 s10, $0x0  }
0x15: {  	_ =	swait.ge @!p4 [sflag:s11], $0xC000;
	p3 =	por p3, !p2  }
0x16: {  	[sflag:s11] =	ssyncset.done @!p4 $0x0;
	s10 =	simm.s32 @!p3 $0x0;
	s12 =	simm.s32 @!p3 $0x80  }
0x17: {  	[sflag:s11] =	ssyncadd.s32 @!p4 $0xFFFF4000;
	s11 =	simm.s32 @!p3 $0x1000;
	s13 =	simm.s32 @!p3 $0x80  }
0x18: {  	[tilespmem:s11], [sflag:$0x1] =	stream.indirect.gather @!p3 [hbm4b:s1+s12], $0x80, s10, s12, $0xb8;
	[tilespmem:$0x19000] =	vst v63  }
0x19: {  	s14 =	simm.s32 @!p3 $0x1;
	s10 =	simm.s32 @!p3 $0x20;
	s12 =	simm.s32 @!p3 $0x5000  }
0x1a: {  	[tilespmem:s12], [sflag:$0x1] =	stream.indirect.gather @!p3 [hbm4b:s1+s10], $0x80, s13, s10, $0xb8;
	[tilespmem:$0x19000] =	vst v63  }
0x1b: {  	_ =	swait.ge @!p3 [sflag:s14], $0x4000  }
0x1c: {  	[sflag:s14] =	ssyncset.done @!p3 $0x0  }
0x1d: {  	[sflag:s14] =	ssyncadd.s32 @!p3 $0xFFFFC000  }
0x1e: {  	_ =	swait.ge @!p3 [sflag:s14], $0x1000  }
0x1f: {  	[sflag:s14] =	ssyncset.done @!p3 $0x0  }
0x20: {  	s12 =	simm.s32 @!p3 $0x0;
	s10 =	rddreg [dreg:$0x5];
	[sflag:s14] =	ssyncadd.s32 @!p3 $0xFFFFF000  }
0x21: {  	[hbm4b:s10+s12] =	stream.linear.scatter @!p3 [tilespmem:s11], [sflag:$0x2], $0x5000, $0x38;
	[tilespmem:$0x19000] =	vst v63  }
0x22: {  	s10 =	simm.s32 @!p2 $0x0;
	s11 =	simm.s32 @!p2 $0x80;
	s12 =	simm.s32 @!p2 $0x1000  }
0x23: {  	[tilespmem:s12], [sflag:$0x1] =	stream.indirect.gather @!p2 [hbm4b:s1+s11], $0x80, s10, s11, $0xb8;
	[tilespmem:$0x19000] =	vst v63  }
0x24: {  	s13 =	simm.s32 @!p2 $0x5000;
	s10 =	simm.s32 @!p2 $0x80  }
0x25: {  	[tilespmem:s13], [sflag:$0x1] =	stream.indirect.gather @!p2 [hbm4b:s1+s11], $0x80, s10, s11, $0xb8;
	[tilespmem:$0x19000] =	vst v63  }
0x26: {  	s14 =	simm.s32 @!p2 $0x1;
	s10 =	simm.s32 @!p2 $0x100;
	s13 =	simm.s32 @!p2 $0x9000  }
0x27: {  	[tilespmem:s13], [sflag:$0x1] =	stream.indirect.gather @!p2 [hbm4b:s1+s11], $0x80, s10, s11, $0xb8;
	[tilespmem:$0x19000] =	vst v63  }
0x28: {  	_ =	swait.ge @!p2 [sflag:s14], $0x4000  }
0x29: {  	[sflag:s14] =	ssyncset.done @!p2 $0x0  }
0x2a: {  	[sflag:s14] =	ssyncadd.s32 @!p2 $0xFFFFC000  }
0x2b: {  	_ =	swait.ge @!p2 [sflag:s14], $0x4000  }
0x2c: {  	[sflag:s14] =	ssyncset.done @!p2 $0x0  }
0x2d: {  	[sflag:s14] =	ssyncadd.s32 @!p2 $0xFFFFC000  }
0x2e: {  	s31 =	sadd.s32 $0xFFFFFFC0, s7;
	_ =	swait.ge @!p2 [sflag:s14], $0x4000  }
0x2f: {  	p4 =	sgt.u32 s31, $0x103;
	s11 =	simm.s32 @!p2 $0x0;
	[sflag:s14] =	ssyncset.done @!p2 $0x0  }
0x30: {  	s10 =	sadd.s32 @!p2 $0xFFFD0000, s6;
	s13 =	simm.s32 @!p4 $0x2;
	[sflag:s14] =	ssyncadd.s32 @!p2 $0xFFFFC000  }
0x31: {  	[hbm4b:s10+s11] =	stream.linear.scatter @!p2 [tilespmem:s12], [sflag:$0x2], $0xC000, $0x38;
	[tilespmem:$0x19000] =	vst v63  }
0x32: {  	p3 =	sgt.u32 s7, $0x103;
	_ =	swait.ge @!p4 [sflag:s13], $0xC000  }
0x33: {  	s16 =	simm.s32 @!p3 $0xD000;
	[sflag:s13] =	ssyncset.done @!p4 $0x0  }
0x34: {  	s10 =	simm.s32 @!p3 $0x180;
	s11 =	simm.s32 @!p3 $0x80;
	[sflag:s13] =	ssyncadd.s32 @!p4 $0xFFFF4000  }
0x35: {  	[tilespmem:s16], [sflag:$0x1] =	stream.indirect.gather @!p3 [hbm4b:s1+s11], $0x80, s10, s11, $0xb8;
	[tilespmem:$0x19000] =	vst v63  }
0x36: {  	s12 =	simm.s32 @!p3 $0x11000;
	s10 =	simm.s32 @!p3 $0x200  }
0x37: {  	[tilespmem:s12], [sflag:$0x1] =	stream.indirect.gather @!p3 [hbm4b:s1+s11], $0x80, s10, s11, $0xb8;
	[tilespmem:$0x19000] =	vst v63  }
0x38: {  	s17 =	simm.s32 @!p3 $0x1;
	s10 =	simm.s32 @!p3 $0x280;
	s12 =	simm.s32 @!p3 $0x15000  }
0x39: {  	[tilespmem:s12], [sflag:$0x1] =	stream.indirect.gather @!p3 [hbm4b:s1+s11], $0x80, s10, s11, $0xb8;
	[tilespmem:$0x19000] =	vst v63  }
0x3a: {  	_ =	swait.ge @!p3 [sflag:s17], $0x4000  }
0x3b: {  	[sflag:s17] =	ssyncset.done @!p3 $0x0  }
0x3c: {  	s14 =	simm.s32 $0x1800;
	[sflag:s17] =	ssyncadd.s32 @!p3 $0xFFFFC000  }
0x3d: {  	s13 =	smov.u32 s6;
	s12 =	simm.s32 $0xC00;
	_ =	swait.ge @!p3 [sflag:s17], $0x4000  }
0x3e: {  	s10 =	sadd.s32 $0x60000, s6;
	s11 =	sadd.s32 $0x40, s7;
	[sflag:s17] =	ssyncset.done @!p3 $0x0  }
.LBB2_2:
0x3f: {  	[sflag:s17] =	ssyncadd.s32 @!p3 $0xFFFFC000  }
0x40: {  	_ =	swait.ge @!p3 [sflag:s17], $0x4000  }
0x41: {  	s18 =	sadd.s32 $0xFFFFFFA0, s11;
	s19 =	sadd.s32 $0xFFFFFFE0, s11;
	[sflag:s17] =	ssyncset.done @!p3 $0x0  }
0x42: {  	s20 =	simm.s32 @!p3 $0x0;
	s30 =	rddreg [dreg:$0x4];
	[sflag:s17] =	ssyncadd.s32 @!p3 $0xFFFFC000  }
0x43: {  	[hbm4b:s13+s20] =	stream.linear.scatter @!p3 [tilespmem:s16], [sflag:$0x2], $0xC000, $0x38;
	[tilespmem:$0x19000] =	vst v63  }
0x44: {  	p5 =	sgt.u32 s18, $0x103;
	p4 =	sgt.u32 s19, $0x103;
	s16 =	sadd.s32 s12, s30  }
0x45: {  	s21 =	simm.s32 @!p5 $0x2;
	p3 =	sne.s32 @p4 s16, $0x0  }
0x46: {  	_ =	swait.ge @!p5 [sflag:s21], $0xC000;
	p3 =	por p3, !p4  }
0x47: {  	[sflag:s21] =	ssyncset.done @!p5 $0x0;
	s16 =	sshra.s32 @!p3 s12, $0x2;
	s17 =	simm.s32 @!p3 $0x80  }
0x48: {  	[sflag:s21] =	ssyncadd.s32 @!p5 $0xFFFF4000;
	s18 =	simm.s32 @!p3 $0x1000;
	s20 =	simm.s32 @!p3 $0x1  }
0x49: {  	[tilespmem:s18], [sflag:$0x1] =	stream.indirect.gather @!p3 [hbm4b:s1+s17], $0x80, s16, s17, $0xb8;
	[tilespmem:$0x19000] =	vst v63  }
0x4a: {  	s19 =	sadd.s32 @!p3 $0x80, s16;
	s16 =	simm.s32 @!p3 $0x20;
	s17 =	simm.s32 @!p3 $0x5000  }
0x4b: {  	[tilespmem:s17], [sflag:$0x1] =	stream.indirect.gather @!p3 [hbm4b:s1+s16], $0x80, s19, s16, $0xb8;
	[tilespmem:$0x19000] =	vst v63  }
0x4c: {  	_ =	swait.ge @!p3 [sflag:s20], $0x4000  }
0x4d: {  	[sflag:s20] =	ssyncset.done @!p3 $0x0  }
0x4e: {  	[sflag:s20] =	ssyncadd.s32 @!p3 $0xFFFFC000  }
0x4f: {  	_ =	swait.ge @!p3 [sflag:s20], $0x1000  }
0x50: {  	[sflag:s20] =	ssyncset.done @!p3 $0x0  }
0x51: {  	s16 =	simm.s32 @!p3 $0x0;
	s17 =	rddreg [dreg:$0x5];
	[sflag:s20] =	ssyncadd.s32 @!p3 $0xFFFFF000  }
0x52: {  	[hbm4b:s17+s16] =	stream.linear.scatter @!p3 [tilespmem:s18], [sflag:$0x2], $0x5000, $0x38;
	[tilespmem:$0x19000] =	vst v63  }
0x53: {  	s21 =	simm.s32 @!p4 $0x80;
	s19 =	sshra.s32 @!p4 s12, $0x2;
	s17 =	simm.s32 @!p4 $0x1000  }
0x54: {  	[tilespmem:s17], [sflag:$0x1] =	stream.indirect.gather @!p4 [hbm4b:s1+s21], $0x80, s19, s21, $0xb8;
	[tilespmem:$0x19000] =	vst v63  }
0x55: {  	s22 =	sadd.s32 @!p4 $0x80, s19;
	s16 =	simm.s32 @!p4 $0x5000  }
0x56: {  	[tilespmem:s16], [sflag:$0x1] =	stream.indirect.gather @!p4 [hbm4b:s1+s21], $0x80, s22, s21, $0xb8;
	[tilespmem:$0x19000] =	vst v63  }
0x57: {  	s23 =	sadd.s32 @!p4 $0x100, s19;
	s18 =	simm.s32 @!p4 $0x1;
	s16 =	simm.s32 @!p4 $0x9000  }
0x58: {  	[tilespmem:s16], [sflag:$0x1] =	stream.indirect.gather @!p4 [hbm4b:s1+s21], $0x80, s23, s21, $0xb8;
	[tilespmem:$0x19000] =	vst v63  }
0x59: {  	_ =	swait.ge @!p4 [sflag:s18], $0x4000  }
0x5a: {  	[sflag:s18] =	ssyncset.done @!p4 $0x0  }
0x5b: {  	[sflag:s18] =	ssyncadd.s32 @!p4 $0xFFFFC000  }
0x5c: {  	_ =	swait.ge @!p4 [sflag:s18], $0x4000  }
0x5d: {  	[sflag:s18] =	ssyncset.done @!p4 $0x0  }
0x5e: {  	s15 =	smov.u32 s14;
	s31 =	sadd.s32 $0xFFFFFFC0, s11;
	[sflag:s18] =	ssyncadd.s32 @!p4 $0xFFFFC000  }
0x5f: {  	p5 =	sgt.u32 s31, $0x103;
	p3 =	sgt.u32 s11, $0x103;
	_ =	swait.ge @!p4 [sflag:s18], $0x4000  }
0x60: {  	s20 =	simm.s32 @!p5 $0x2;
	s12 =	sshra.s32 @!p3 s12, $0x2;
	[sflag:s18] =	ssyncset.done @!p4 $0x0  }
0x61: {  	s19 =	simm.s32 @!p4 $0x0;
	s21 =	sadd.s32 @!p4 $0xFFFD0000, s10;
	[sflag:s18] =	ssyncadd.s32 @!p4 $0xFFFFC000  }
0x62: {  	[hbm4b:s21+s19] =	stream.linear.scatter @!p4 [tilespmem:s17], [sflag:$0x2], $0xC000, $0x38;
	[tilespmem:$0x19000] =	vst v63  }
0x63: {  	s22 =	sadd.s32 @!p3 $0x180, s12;
	s16 =	simm.s32 @!p3 $0xD000;
	_ =	swait.ge @!p5 [sflag:s20], $0xC000  }
0x64: {  	s23 =	sadd.s32 @!p3 $0x280, s12;
	s18 =	sadd.s32 @!p3 $0x200, s12;
	[sflag:s20] =	ssyncset.done @!p5 $0x0  }
0x65: {  	s12 =	smov.u32 s15;
	s15 =	simm.s32 @!p3 $0x80;
	[sflag:s20] =	ssyncadd.s32 @!p5 $0xFFFF4000  }
0x66: {  	[tilespmem:s16], [sflag:$0x1] =	stream.indirect.gather @!p3 [hbm4b:s1+s15], $0x80, s22, s15, $0xb8;
	[tilespmem:$0x19000] =	vst v63  }
0x67: {  	s14 =	sadd.s32 $0xC00, s14;
	s17 =	simm.s32 @!p3 $0x11000  }
0x68: {  	[tilespmem:s17], [sflag:$0x1] =	stream.indirect.gather @!p3 [hbm4b:s1+s15], $0x80, s18, s15, $0xb8;
	[tilespmem:$0x19000] =	vst v63  }
0x69: {  	p2 =	sne.s32 s14, $0x3C00;
	s18 =	simm.s32 @!p3 $0x15000;
	s17 =	simm.s32 @!p3 $0x1  }
0x6a: {  	[tilespmem:s18], [sflag:$0x1] =	stream.indirect.gather @!p3 [hbm4b:s1+s15], $0x80, s23, s15, $0xb8;
	[tilespmem:$0x19000] =	vst v63  }
.Ltmp0:
0x6b: {  	_ =	swait.ge @!p3 [sflag:s17], $0x4000;
	(pc) =	sbr.rel @p2 .LBB2_2-.Ltmp0, $4  }
0x6c: {  	[sflag:s17] =	ssyncset.done @!p3 $0x0  }
0x6d: {  	[sflag:s17] =	ssyncadd.s32 @!p3 $0xFFFFC000  }
0x6e: {  	s13 =	smov.u32 s10;
	_ =	swait.ge @!p3 [sflag:s17], $0x4000  }
0x6f: {  	s11 =	sadd.s32 $0x40, s11;
	s10 =	sadd.s32 $0x60000, s10;
	[sflag:s17] =	ssyncset.done @!p3 $0x0  }
0x70: {  	[sflag:s17] =	ssyncadd.s32 @!p3 $0xFFFFC000  }
0x71: {  	_ =	swait.ge @!p3 [sflag:s17], $0x4000  }
0x72: {  	s14 =	sadd.s32 $0xFFFFFFA0, s11;
	s18 =	sadd.s32 $0xFFFFFFE0, s11;
	[sflag:s17] =	ssyncset.done @!p3 $0x0  }
0x73: {  	s19 =	simm.s32 @!p3 $0x0;
	s15 =	rddreg [dreg:$0x4];
	[sflag:s17] =	ssyncadd.s32 @!p3 $0xFFFFC000  }
0x74: {  	[hbm4b:s13+s19] =	stream.linear.scatter @!p3 [tilespmem:s16], [sflag:$0x2], $0xC000, $0x38;
	[tilespmem:$0x19000] =	vst v63  }
0x75: {  	p4 =	sgt.u32 s14, $0x103;
	p2 =	sgt.u32 s18, $0x103;
	s13 =	sadd.s32 s12, s15  }
0x76: {  	s14 =	simm.s32 @!p4 $0x2;
	p3 =	sne.s32 @p2 s13, $0x0  }
0x77: {  	_ =	swait.ge @!p4 [sflag:s14], $0xC000;
	p3 =	por p3, !p2  }
0x78: {  	[sflag:s14] =	ssyncset.done @!p4 $0x0;
	s13 =	sshra.s32 @!p3 s12, $0x2;
	s15 =	simm.s32 @!p3 $0x80  }
0x79: {  	[sflag:s14] =	ssyncadd.s32 @!p4 $0xFFFF4000;
	s14 =	simm.s32 @!p3 $0x1000;
	s17 =	simm.s32 @!p3 $0x1  }
0x7a: {  	[tilespmem:s14], [sflag:$0x1] =	stream.indirect.gather @!p3 [hbm4b:s1+s15], $0x80, s13, s15, $0xb8;
	[tilespmem:$0x19000] =	vst v63  }
0x7b: {  	s16 =	sadd.s32 @!p3 $0x80, s13;
	s13 =	simm.s32 @!p3 $0x20;
	s15 =	simm.s32 @!p3 $0x5000  }
0x7c: {  	[tilespmem:s15], [sflag:$0x1] =	stream.indirect.gather @!p3 [hbm4b:s1+s13], $0x80, s16, s13, $0xb8;
	[tilespmem:$0x19000] =	vst v63  }
0x7d: {  	_ =	swait.ge @!p3 [sflag:s17], $0x4000  }
0x7e: {  	[sflag:s17] =	ssyncset.done @!p3 $0x0  }
0x7f: {  	[sflag:s17] =	ssyncadd.s32 @!p3 $0xFFFFC000  }
0x80: {  	_ =	swait.ge @!p3 [sflag:s17], $0x1000  }
0x81: {  	[sflag:s17] =	ssyncset.done @!p3 $0x0  }
0x82: {  	s15 =	simm.s32 @!p3 $0x0;
	s13 =	rddreg [dreg:$0x5];
	[sflag:s17] =	ssyncadd.s32 @!p3 $0xFFFFF000  }
0x83: {  	[hbm4b:s13+s15] =	stream.linear.scatter @!p3 [tilespmem:s14], [sflag:$0x2], $0x5000, $0x38;
	[tilespmem:$0x19000] =	vst v63  }
0x84: {  	s13 =	sshra.s32 @!p2 s12, $0x2;
	s14 =	simm.s32 @!p2 $0x80;
	s15 =	simm.s32 @!p2 $0x1000  }
0x85: {  	[tilespmem:s15], [sflag:$0x1] =	stream.indirect.gather @!p2 [hbm4b:s1+s14], $0x80, s13, s14, $0xb8;
	[tilespmem:$0x19000] =	vst v63  }
0x86: {  	s17 =	simm.s32 @!p2 $0x5000;
	s16 =	sadd.s32 @!p2 $0x80, s13  }
0x87: {  	[tilespmem:s17], [sflag:$0x1] =	stream.indirect.gather @!p2 [hbm4b:s1+s14], $0x80, s16, s14, $0xb8;
	[tilespmem:$0x19000] =	vst v63  }
0x88: {  	s13 =	sadd.s32 @!p2 $0x100, s13;
	s16 =	simm.s32 @!p2 $0x9000;
	s17 =	simm.s32 @!p2 $0x1  }
0x89: {  	[tilespmem:s16], [sflag:$0x1] =	stream.indirect.gather @!p2 [hbm4b:s1+s14], $0x80, s13, s14, $0xb8;
	[tilespmem:$0x19000] =	vst v63  }
0x8a: {  	_ =	swait.ge @!p2 [sflag:s17], $0x4000  }
0x8b: {  	[sflag:s17] =	ssyncset.done @!p2 $0x0  }
0x8c: {  	[sflag:s17] =	ssyncadd.s32 @!p2 $0xFFFFC000  }
0x8d: {  	_ =	swait.ge @!p2 [sflag:s17], $0x4000  }
0x8e: {  	[sflag:s17] =	ssyncset.done @!p2 $0x0  }
0x8f: {  	[sflag:s17] =	ssyncadd.s32 @!p2 $0xFFFFC000  }
0x90: {  	s31 =	sadd.s32 $0xFFFFFFC0, s11;
	_ =	swait.ge @!p2 [sflag:s17], $0x4000  }
0x91: {  	p3 =	sgt.u32 s31, $0x103;
	s14 =	simm.s32 @!p2 $0x0;
	[sflag:s17] =	ssyncset.done @!p2 $0x0  }
0x92: {  	s13 =	sadd.s32 @!p2 $0xFFFD0000, s10;
	s16 =	simm.s32 @!p3 $0x2;
	[sflag:s17] =	ssyncadd.s32 @!p2 $0xFFFFC000  }
0x93: {  	[hbm4b:s13+s14] =	stream.linear.scatter @!p2 [tilespmem:s15], [sflag:$0x2], $0xC000, $0x38;
	[tilespmem:$0x19000] =	vst v63  }
0x94: {  	p2 =	sgt.u32 s11, $0x103;
	_ =	swait.ge @!p3 [sflag:s16], $0xC000  }
0x95: {  	s11 =	simm.s32 @!p2 $0xD000;
	s12 =	sshra.s32 @!p2 s12, $0x2;
	[sflag:s16] =	ssyncset.done @!p3 $0x0  }
0x96: {  	s14 =	simm.s32 @!p2 $0x80;
	s13 =	sadd.s32 @!p2 $0x180, s12;
	[sflag:s16] =	ssyncadd.s32 @!p3 $0xFFFF4000  }
0x97: {  	[tilespmem:s11], [sflag:$0x1] =	stream.indirect.gather @!p2 [hbm4b:s1+s14], $0x80, s13, s14, $0xb8;
	[tilespmem:$0x19000] =	vst v63  }
0x98: {  	s15 =	simm.s32 @!p2 $0x11000;
	s13 =	sadd.s32 @!p2 $0x200, s12  }
0x99: {  	[tilespmem:s15], [sflag:$0x1] =	stream.indirect.gather @!p2 [hbm4b:s1+s14], $0x80, s13, s14, $0xb8;
	[tilespmem:$0x19000] =	vst v63  }
0x9a: {  	s12 =	sadd.s32 @!p2 $0x280, s12;
	s13 =	simm.s32 @!p2 $0x15000;
	s15 =	simm.s32 @!p2 $0x1  }
0x9b: {  	[tilespmem:s13], [sflag:$0x1] =	stream.indirect.gather @!p2 [hbm4b:s1+s14], $0x80, s12, s14, $0xb8;
	[tilespmem:$0x19000] =	vst v63  }
0x9c: {  	_ =	swait.ge @!p2 [sflag:s15], $0x4000  }
0x9d: {  	[sflag:s15] =	ssyncset.done @!p2 $0x0  }
0x9e: {  	[sflag:s15] =	ssyncadd.s32 @!p2 $0xFFFFC000  }
0x9f: {  	_ =	swait.ge @!p2 [sflag:s15], $0x4000  }
0xa0: {  	[sflag:s15] =	ssyncset.done @!p2 $0x0  }
0xa1: {  	[sflag:s15] =	ssyncadd.s32 @!p2 $0xFFFFC000  }
0xa2: {  	_ =	swait.ge @!p2 [sflag:s15], $0x4000  }
0xa3: {  	[sflag:s15] =	ssyncset.done @!p2 $0x0  }
0xa4: {  	s12 =	simm.s32 @!p2 $0x0;
	[sflag:s15] =	ssyncadd.s32 @!p2 $0xFFFFC000  }
0xa5: {  	[hbm4b:s10+s12] =	stream.linear.scatter @!p2 [tilespmem:s11], [sflag:$0x2], $0xC000, $0x38;
	[tilespmem:$0x19000] =	vst v63  }
0xa6: {  	s9 =	sadd.s32 $0x1, s9;
	s10 =	simm.s32 @!p0 $0x2  }
0xa7: {  	p2 =	sne.s32 s9, s5;
	_ =	swait.ge @!p0 [sflag:s10], $0xC000  }
.Ltmp1:
0xa8: {  	[sflag:s10] =	ssyncset.done @!p0 $0x0;
	(pc) =	sbr.rel @p2 .LBB2_1-.Ltmp1, $4  }
0xa9: {  	[sflag:s10] =	ssyncadd.s32 @!p0 $0xFFFF4000;
	s10 =	simm.s32 @!p1 $0x2  }
0xaa: {  	_ =	swait.ge @!p1 [sflag:s10], $0x5000  }
0xab: {  	[sflag:s10] =	ssyncset.done @!p1 $0x0  }
0xac: {  	[sflag:s10] =	ssyncadd.s32 @!p1 $0xFFFFB000  }
0xad: {  	_ =	sfence.sel $0x180000  }
0xae: {  	[bflag:$0x0] =	sbarrier.arrive $0xFFFF  }
0xaf: {  	p0 =	sne.s32 s2, $0x0;
	_ =	strace $0x90000047  }
0xb0: {  	s0 =	sadd.s32 @!p0 $0x100000, s0;
	[bflag:$0x2] =	sbarrier.arrive $0xFFFF  }
0xb1: {  	[sflag:s0] =	ssyncadd.tile.s32 @!p0 $0x1;
	_ =	shalt  }
.Lfunc_end2:
_tile_overlayer_lowered:
.L_overlay_start_2:
0xb2: {  	(tag) =	ssettag $0x2  }
0xb3: {  	s0 =	rddreg [dreg:$0x0];
	s2 =	stileid.u32  }
0xb4: {  	s1 =	rddreg [dreg:$0x1];
	p0 =	sne.s32 s2, $0x0  }
0xb5: {  	s3 =	rddreg [dreg:$0x2];
	[bflag:$0x3] =	sbarrier.arrive $0xFFFF;
	s2 =	simm.s32 @!p0 $0x1C03  }
0xb6: {  	[timem:s3], [sflag:s2] =	dma.local @!p0 [hbm:s0], s1  }
0xb7: {  	s0 =	simm.s32 @!p0 $0x3  }
0xb8: {  	_ =	swait.ge @!p0 [sflag:s0], s1  }
0xb9: {  	s1 =	ssub.s32 @!p0 $0x0, s1;
	[sflag:s0] =	ssyncset.done @!p0 $0x0  }
0xba: {  	[sflag:s0] =	ssyncadd.s32 @!p0 s1  }
0xbb: {  	[bflag:$0x3] =	sbarrier.arrive $0xFFFF  }
0xbc: {  	_ =	shalt  }

</sc_bundles>
